<compile_context>
chip_gen: v7x
topology: tpu7x:2x2x1
jax: 0.10.2.dev20260603
libtpu: 0.0.44.dev20260713+nightly
codegen_flags: <defaults>
</compile_context>

<pallas_src>
import functools

import jax
import jax.numpy as jnp
from jax import lax
from jax.experimental import pallas as pl
from jax.experimental.pallas import tpu as pltpu
from jax.experimental.pallas import tpu_sc as plsc

D = 128
NC, NS = 2, 16
NW = NC * NS
B = 4096 * 200
BPW = B // NW
GSZ = 128
CH = 256
NSUB = CH // GSZ
NCHUNK = BPW // CH
NROWS_W = BPW // GSZ

_mesh = plsc.VectorSubcoreMesh(core_axis_name="c", subcore_axis_name="s")


@functools.partial(
    pl.kernel,
    out_type=jax.ShapeDtypeStruct((B, D), jnp.float32),
    mesh=_mesh,
    scratch_types=[
        pltpu.VMEM((NROWS_W, GSZ), jnp.int32),
        pltpu.VMEM((3, CH, D), jnp.float32),
        pltpu.SemaphoreType.DMA,
        pltpu.SemaphoreType.DMA,
        pltpu.SemaphoreType.DMA,
        pltpu.SemaphoreType.DMA,
        pltpu.SemaphoreType.DMA,
        pltpu.SemaphoreType.DMA,
    ],
)
def _sc_gather(q_hbm, table_hbm, out_hbm, idx_v, rows_v, g0, g1, g2, o0, o1, o2):
    wid = lax.axis_index("s") * NC + lax.axis_index("c")
    row0 = wid * NROWS_W
    base = wid * BPW
    gsem = (g0, g1, g2)
    osem = (o0, o1, o2)

    pltpu.sync_copy(q_hbm.at[pl.ds(row0, NROWS_W), :], idx_v)

    def fire_gathers(c, buf):
        for j in range(NSUB):
            pltpu.async_copy(
                table_hbm.at[idx_v.at[c * NSUB + j]],
                rows_v.at[buf, pl.ds(j * GSZ, GSZ), :],
                gsem[buf],
            )

    def wait_gathers(c, buf):
        for j in range(NSUB):
            pltpu.make_async_copy(
                table_hbm.at[idx_v.at[c * NSUB + j]],
                rows_v.at[buf, pl.ds(j * GSZ, GSZ), :],
                gsem[buf],
            ).wait()

    def fire_out(c, buf):
        pltpu.async_copy(
            rows_v.at[buf],
            out_hbm.at[pl.ds(base + c * CH, CH), :],
            osem[buf],
        )

    def wait_out(c, buf):
        pltpu.make_async_copy(
            rows_v.at[buf],
            out_hbm.at[pl.ds(base + c * CH, CH), :],
            osem[buf],
        ).wait()

    fire_gathers(0, 0)
    fire_gathers(1, 1)
    wait_gathers(0, 0)
    fire_out(0, 0)
    fire_gathers(2, 2)
    wait_gathers(1, 1)
    fire_out(1, 1)

    def step(c, buf):
        wait_gathers(c - 1, (buf + 2) % 3)
        fire_out(c - 1, (buf + 2) % 3)
        wait_out(c - 3, buf)
        fire_gathers(c, buf)

    def triple(p, carry):
        step(3 * p, 0)
        step(3 * p + 1, 1)
        step(3 * p + 2, 2)
        return carry

    lax.fori_loop(1, (NCHUNK - 1) // 3, triple, 0)

    step(NCHUNK - 1, 0)
    wait_gathers(NCHUNK - 1, 0)
    fire_out(NCHUNK - 1, 0)
    wait_out(NCHUNK - 3, 1)
    wait_out(NCHUNK - 2, 2)
    wait_out(NCHUNK - 1, 0)


def kernel(q, table):
    q_rows = q.reshape(B // GSZ, GSZ).astype(jnp.int32)
    out = _sc_gather(q_rows, table)
    return out.reshape(q.shape[0], q.shape[1], D)

# --- scband reference (transcript-rebuilt; emitter-appended) ---
"""Pipeline reference for scband-que-embedder-2826088481126 (READ-ONLY COPY).

The authoritative reference and input builder live on the scoring server;
editing this copy changes nothing except your own understanding.
"""

import jax, jax.numpy as jnp
import numpy as np

NUM_Q = 100000
EMB_SIZE = 128
BATCH = 4096
HIST = 200

def setup_inputs(seed: int = 0) -> dict:
    key = jax.random.key(seed)
    k1, k2 = jax.random.split(key)
    q = jax.random.randint(k1, (BATCH, HIST), 0, NUM_Q, dtype=jnp.int64 if jax.config.jax_enable_x64 else jnp.int32)
    # nn.Embedding default init: N(0, 1)
    table = jax.random.normal(k2, (NUM_Q, EMB_SIZE), dtype=jnp.float32)
    return {"q": q, "table": table}

def reference(q, table):
    # QueEmbedder with emb_path='' -> standard nn.Embedding, has_stages=False,
    # projection_layer = Identity (loaded_emb_dim == emb_size).
    # forward: x = que_emb(q); x = projection_layer(x); return (x, False)
    x = jnp.take(table, q, axis=0)
    return x

if __name__ == "__main__":
    import jax
    _d = setup_inputs()
    print(jax.jit(kernel)(*tuple(_d.values())))

</pallas_src>

<mosaic_0001>
#map = affine_map<(d0, d1) -> (0, 0)>
module attributes {stable_mosaic.version = 14 : i64} {
  func.func @_sc_gather(%arg0: i32, %arg1: i32, %arg2: memref<6400x128xi32, #tpu.memory_space<hbm>>, %arg3: memref<100000x128xf32, #tpu.memory_space<hbm>>, %arg4: memref<819200x128xf32, #tpu.memory_space<hbm>>, %arg5: memref<200x128xi32, #tpu.memory_space<vmem>>, %arg6: memref<3x256x128xf32, #tpu.memory_space<vmem>>, %arg7: memref<!tpu.dma_semaphore, #tpu.memory_space<semaphore_mem>>, %arg8: memref<!tpu.dma_semaphore, #tpu.memory_space<semaphore_mem>>, %arg9: memref<!tpu.dma_semaphore, #tpu.memory_space<semaphore_mem>>, %arg10: memref<!tpu.dma_semaphore, #tpu.memory_space<semaphore_mem>>, %arg11: memref<!tpu.dma_semaphore, #tpu.memory_space<semaphore_mem>>, %arg12: memref<!tpu.dma_semaphore, #tpu.memory_space<semaphore_mem>>) attributes {dimension_semantics = [#tpu.dimension_semantics<core_parallel>, #tpu.dimension_semantics<subcore_parallel>], iteration_bounds = array<i64: 2, 16>, scalar_prefetch = 0 : i64, scratch_operands = 8 : i64, tpu.core_type = #tpu.core_type<sc_vector_subcore>, window_params = [{transform_indices = #map}, {transform_indices = #map}, {transform_indices = #map}]} {
    %mul3A = arith.constant 2 : i32
    %mul3A_0 = arith.muli %arg1, %mul3A : i32
    %add3A = arith.addi %mul3A_0, %arg0 : i32
    %mul3A_1 = arith.constant 200 : i32
    %mul3A_2 = arith.muli %add3A, %mul3A_1 : i32
    %mul3A_3 = arith.constant 25600 : i32
    %mul3A_4 = arith.muli %add3A, %mul3A_3 : i32
    "tpu.region"() ({
      %run_scoped3A = tpu.sem_alloc : memref<!tpu.dma_semaphore, #tpu.memory_space<semaphore_mem>>
      %dma_start3A_320 = arith.constant 0 : i32
      %dma_start3A_321 = tpu.memref_slice %arg2[%mul3A_2, %dma_start3A_320] : memref<6400x128xi32, #tpu.memory_space<hbm>> -> memref<200x128xi32, #tpu.memory_space<hbm>>
      %dma_start3A_322 = arith.constant 0 : i32
      %dma_start3A_323 = tpu.memref_slice %arg2[%mul3A_2, %dma_start3A_322] : memref<6400x128xi32, #tpu.memory_space<hbm>> -> memref<200x128xi32, #tpu.memory_space<hbm>>
      tpu.enqueue_dma source(%dma_start3A_323 : memref<200x128xi32, #tpu.memory_space<hbm>>) target(%arg5 : memref<200x128xi32, #tpu.memory_space<vmem>>) target_semaphore(%run_scoped3A : memref<!tpu.dma_semaphore, #tpu.memory_space<semaphore_mem>>)
      %dma_wait3A_324 = arith.constant 0 : i32
      %dma_wait3A_325 = tpu.memref_slice %arg2[%mul3A_2, %dma_wait3A_324] : memref<6400x128xi32, #tpu.memory_space<hbm>> -> memref<200x128xi32, #tpu.memory_space<hbm>>
      %dma_wait3A_326 = arith.constant 0 : i32
      %dma_wait3A_327 = tpu.memref_slice %arg2[%mul3A_2, %dma_wait3A_326] : memref<6400x128xi32, #tpu.memory_space<hbm>> -> memref<200x128xi32, #tpu.memory_space<hbm>>
      tpu.wait_dma2 semaphore(%run_scoped3A : memref<!tpu.dma_semaphore, #tpu.memory_space<semaphore_mem>>) src(%dma_wait3A_327 : memref<200x128xi32, #tpu.memory_space<hbm>>) dst(%arg5 : memref<200x128xi32, #tpu.memory_space<vmem>>)
      tpu.yield
    }) : () -> ()
    %dma_start3A = arith.constant 0 : i32
    %dma_start3A_5 = arith.constant 0 : i32
    %dma_start3A_6 = arith.constant 0 : i32
    %dma_start3A_7 = arith.constant 0 : i32
    %dma_start3A_8 = tpu.memref_slice %arg6[%dma_start3A_5, %dma_start3A_6, %dma_start3A_7] : memref<3x256x128xf32, #tpu.memory_space<vmem>> -> memref<1x128x128xf32, #tpu.memory_space<vmem>>
    %dma_start3A_9 = tpu.memref_squeeze %dma_start3A_8 : memref<1x128x128xf32, #tpu.memory_space<vmem>> -> memref<128x128xf32, #tpu.memory_space<vmem>>
    %dma_start3A_10 = arith.constant 0 : i32
    %dma_start3A_11 = tpu.memref_slice %arg5[%dma_start3A, %dma_start3A_10] : memref<200x128xi32, #tpu.memory_space<vmem>> -> memref<1x128xi32, #tpu.memory_space<vmem>>
    %dma_start3A_12 = tpu.memref_squeeze %dma_start3A_11 : memref<1x128xi32, #tpu.memory_space<vmem>> -> memref<128xi32, #tpu.memory_space<vmem>>
    %dma_start3A_13 = arith.constant 0 : i32
    %dma_start3A_14 = arith.constant 0 : i32
    %dma_start3A_15 = tpu.memref_slice %arg3[%dma_start3A_13, %dma_start3A_14] : memref<100000x128xf32, #tpu.memory_space<hbm>> -> memref<100000x128xf32, #tpu.memory_space<hbm>>
    tpu.enqueue_indirect_dma source(%dma_start3A_15 : memref<100000x128xf32, #tpu.memory_space<hbm>>) target(%dma_start3A_9 : memref<128x128xf32, #tpu.memory_space<vmem>>) offsets(%dma_start3A_12 : memref<128xi32, #tpu.memory_space<vmem>>) semaphore(%arg7 : memref<!tpu.dma_semaphore, #tpu.memory_space<semaphore_mem>>)
    %dma_start3A_16 = arith.constant 1 : i32
    %dma_start3A_17 = arith.constant 0 : i32
    %dma_start3A_18 = arith.constant 128 : i32
    %dma_start3A_19 = arith.constant 0 : i32
    %dma_start3A_20 = tpu.memref_slice %arg6[%dma_start3A_17, %dma_start3A_18, %dma_start3A_19] : memref<3x256x128xf32, #tpu.memory_space<vmem>> -> memref<1x128x128xf32, #tpu.memory_space<vmem>>
    %dma_start3A_21 = tpu.memref_squeeze %dma_start3A_20 : memref<1x128x128xf32, #tpu.memory_space<vmem>> -> memref<128x128xf32, #tpu.memory_space<vmem>>
    %dma_start3A_22 = arith.constant 0 : i32
    %dma_start3A_23 = tpu.memref_slice %arg5[%dma_start3A_16, %dma_start3A_22] : memref<200x128xi32, #tpu.memory_space<vmem>> -> memref<1x128xi32, #tpu.memory_space<vmem>>
    %dma_start3A_24 = tpu.memref_squeeze %dma_start3A_23 : memref<1x128xi32, #tpu.memory_space<vmem>> -> memref<128xi32, #tpu.memory_space<vmem>>
    %dma_start3A_25 = arith.constant 0 : i32
    %dma_start3A_26 = arith.constant 0 : i32
    %dma_start3A_27 = tpu.memref_slice %arg3[%dma_start3A_25, %dma_start3A_26] : memref<100000x128xf32, #tpu.memory_space<hbm>> -> memref<100000x128xf32, #tpu.memory_space<hbm>>
    tpu.enqueue_indirect_dma source(%dma_start3A_27 : memref<100000x128xf32, #tpu.memory_space<hbm>>) target(%dma_start3A_21 : memref<128x128xf32, #tpu.memory_space<vmem>>) offsets(%dma_start3A_24 : memref<128xi32, #tpu.memory_space<vmem>>) semaphore(%arg7 : memref<!tpu.dma_semaphore, #tpu.memory_space<semaphore_mem>>)
    %dma_start3A_28 = arith.constant 2 : i32
    %dma_start3A_29 = arith.constant 1 : i32
    %dma_start3A_30 = arith.constant 0 : i32
    %dma_start3A_31 = arith.constant 0 : i32
    %dma_start3A_32 = tpu.memref_slice %arg6[%dma_start3A_29, %dma_start3A_30, %dma_start3A_31] : memref<3x256x128xf32, #tpu.memory_space<vmem>> -> memref<1x128x128xf32, #tpu.memory_space<vmem>>
    %dma_start3A_33 = tpu.memref_squeeze %dma_start3A_32 : memref<1x128x128xf32, #tpu.memory_space<vmem>> -> memref<128x128xf32, #tpu.memory_space<vmem>>
    %dma_start3A_34 = arith.constant 0 : i32
    %dma_start3A_35 = tpu.memref_slice %arg5[%dma_start3A_28, %dma_start3A_34] : memref<200x128xi32, #tpu.memory_space<vmem>> -> memref<1x128xi32, #tpu.memory_space<vmem>>
    %dma_start3A_36 = tpu.memref_squeeze %dma_start3A_35 : memref<1x128xi32, #tpu.memory_space<vmem>> -> memref<128xi32, #tpu.memory_space<vmem>>
    %dma_start3A_37 = arith.constant 0 : i32
    %dma_start3A_38 = arith.constant 0 : i32
    %dma_start3A_39 = tpu.memref_slice %arg3[%dma_start3A_37, %dma_start3A_38] : memref<100000x128xf32, #tpu.memory_space<hbm>> -> memref<100000x128xf32, #tpu.memory_space<hbm>>
    tpu.enqueue_indirect_dma source(%dma_start3A_39 : memref<100000x128xf32, #tpu.memory_space<hbm>>) target(%dma_start3A_33 : memref<128x128xf32, #tpu.memory_space<vmem>>) offsets(%dma_start3A_36 : memref<128xi32, #tpu.memory_space<vmem>>) semaphore(%arg8 : memref<!tpu.dma_semaphore, #tpu.memory_space<semaphore_mem>>)
    %dma_start3A_40 = arith.constant 3 : i32
    %dma_start3A_41 = arith.constant 1 : i32
    %dma_start3A_42 = arith.constant 128 : i32
    %dma_start3A_43 = arith.constant 0 : i32
    %dma_start3A_44 = tpu.memref_slice %arg6[%dma_start3A_41, %dma_start3A_42, %dma_start3A_43] : memref<3x256x128xf32, #tpu.memory_space<vmem>> -> memref<1x128x128xf32, #tpu.memory_space<vmem>>
    %dma_start3A_45 = tpu.memref_squeeze %dma_start3A_44 : memref<1x128x128xf32, #tpu.memory_space<vmem>> -> memref<128x128xf32, #tpu.memory_space<vmem>>
    %dma_start3A_46 = arith.constant 0 : i32
    %dma_start3A_47 = tpu.memref_slice %arg5[%dma_start3A_40, %dma_start3A_46] : memref<200x128xi32, #tpu.memory_space<vmem>> -> memref<1x128xi32, #tpu.memory_space<vmem>>
    %dma_start3A_48 = tpu.memref_squeeze %dma_start3A_47 : memref<1x128xi32, #tpu.memory_space<vmem>> -> memref<128xi32, #tpu.memory_space<vmem>>
    %dma_start3A_49 = arith.constant 0 : i32
    %dma_start3A_50 = arith.constant 0 : i32
    %dma_start3A_51 = tpu.memref_slice %arg3[%dma_start3A_49, %dma_start3A_50] : memref<100000x128xf32, #tpu.memory_space<hbm>> -> memref<100000x128xf32, #tpu.memory_space<hbm>>
    tpu.enqueue_indirect_dma source(%dma_start3A_51 : memref<100000x128xf32, #tpu.memory_space<hbm>>) target(%dma_start3A_45 : memref<128x128xf32, #tpu.memory_space<vmem>>) offsets(%dma_start3A_48 : memref<128xi32, #tpu.memory_space<vmem>>) semaphore(%arg8 : memref<!tpu.dma_semaphore, #tpu.memory_space<semaphore_mem>>)
    %dma_wait3A = arith.constant 0 : i32
    %dma_wait3A_52 = arith.constant 0 : i32
    %dma_wait3A_53 = arith.constant 0 : i32
    %dma_wait3A_54 = arith.constant 0 : i32
    %dma_wait3A_55 = tpu.memref_slice %arg6[%dma_wait3A_52, %dma_wait3A_53, %dma_wait3A_54] : memref<3x256x128xf32, #tpu.memory_space<vmem>> -> memref<1x128x128xf32, #tpu.memory_space<vmem>>
    %dma_wait3A_56 = tpu.memref_squeeze %dma_wait3A_55 : memref<1x128x128xf32, #tpu.memory_space<vmem>> -> memref<128x128xf32, #tpu.memory_space<vmem>>
    %dma_wait3A_57 = arith.constant 0 : i32
    %dma_wait3A_58 = tpu.memref_slice %arg5[%dma_wait3A, %dma_wait3A_57] : memref<200x128xi32, #tpu.memory_space<vmem>> -> memref<1x128xi32, #tpu.memory_space<vmem>>
    %dma_wait3A_59 = tpu.memref_squeeze %dma_wait3A_58 : memref<1x128xi32, #tpu.memory_space<vmem>> -> memref<128xi32, #tpu.memory_space<vmem>>
    %dma_wait3A_60 = arith.constant 0 : i32
    %dma_wait3A_61 = arith.constant 0 : i32
    %dma_wait3A_62 = tpu.memref_slice %arg3[%dma_wait3A_60, %dma_wait3A_61] : memref<100000x128xf32, #tpu.memory_space<hbm>> -> memref<100000x128xf32, #tpu.memory_space<hbm>>
    tpu.wait_indirect_dma semaphore(%arg7 : memref<!tpu.dma_semaphore, #tpu.memory_space<semaphore_mem>>) src(%dma_wait3A_62 : memref<100000x128xf32, #tpu.memory_space<hbm>>) dst(%dma_wait3A_56 : memref<128x128xf32, #tpu.memory_space<vmem>>)
    %dma_wait3A_63 = arith.constant 1 : i32
    %dma_wait3A_64 = arith.constant 0 : i32
    %dma_wait3A_65 = arith.constant 128 : i32
    %dma_wait3A_66 = arith.constant 0 : i32
    %dma_wait3A_67 = tpu.memref_slice %arg6[%dma_wait3A_64, %dma_wait3A_65, %dma_wait3A_66] : memref<3x256x128xf32, #tpu.memory_space<vmem>> -> memref<1x128x128xf32, #tpu.memory_space<vmem>>
    %dma_wait3A_68 = tpu.memref_squeeze %dma_wait3A_67 : memref<1x128x128xf32, #tpu.memory_space<vmem>> -> memref<128x128xf32, #tpu.memory_space<vmem>>
    %dma_wait3A_69 = arith.constant 0 : i32
    %dma_wait3A_70 = tpu.memref_slice %arg5[%dma_wait3A_63, %dma_wait3A_69] : memref<200x128xi32, #tpu.memory_space<vmem>> -> memref<1x128xi32, #tpu.memory_space<vmem>>
    %dma_wait3A_71 = tpu.memref_squeeze %dma_wait3A_70 : memref<1x128xi32, #tpu.memory_space<vmem>> -> memref<128xi32, #tpu.memory_space<vmem>>
    %dma_wait3A_72 = arith.constant 0 : i32
    %dma_wait3A_73 = arith.constant 0 : i32
    %dma_wait3A_74 = tpu.memref_slice %arg3[%dma_wait3A_72, %dma_wait3A_73] : memref<100000x128xf32, #tpu.memory_space<hbm>> -> memref<100000x128xf32, #tpu.memory_space<hbm>>
    tpu.wait_indirect_dma semaphore(%arg7 : memref<!tpu.dma_semaphore, #tpu.memory_space<semaphore_mem>>) src(%dma_wait3A_74 : memref<100000x128xf32, #tpu.memory_space<hbm>>) dst(%dma_wait3A_68 : memref<128x128xf32, #tpu.memory_space<vmem>>)
    %add3A_75 = arith.constant 0 : i32
    %add3A_76 = arith.addi %mul3A_4, %add3A_75 : i32
    %dma_start3A_77 = arith.constant 0 : i32
    %dma_start3A_78 = arith.constant 0 : i32
    %dma_start3A_79 = arith.constant 0 : i32
    %dma_start3A_80 = tpu.memref_slice %arg6[%dma_start3A_77, %dma_start3A_78, %dma_start3A_79] : memref<3x256x128xf32, #tpu.memory_space<vmem>> -> memref<1x256x128xf32, #tpu.memory_space<vmem>>
    %dma_start3A_81 = tpu.memref_squeeze %dma_start3A_80 : memref<1x256x128xf32, #tpu.memory_space<vmem>> -> memref<256x128xf32, #tpu.memory_space<vmem>>
    %dma_start3A_82 = arith.constant 0 : i32
    %dma_start3A_83 = tpu.memref_slice %arg4[%add3A_76, %dma_start3A_82] : memref<819200x128xf32, #tpu.memory_space<hbm>> -> memref<256x128xf32, #tpu.memory_space<hbm>>
    %dma_start3A_84 = arith.constant 0 : i32
    %dma_start3A_85 = tpu.memref_slice %arg4[%add3A_76, %dma_start3A_84] : memref<819200x128xf32, #tpu.memory_space<hbm>> -> memref<256x128xf32, #tpu.memory_space<hbm>>
    %dma_start3A_86 = arith.constant 0 : i32
    %dma_start3A_87 = arith.constant 0 : i32
    %dma_start3A_88 = tpu.memref_slice %arg6[%dma_start3A_77, %dma_start3A_86, %dma_start3A_87] : memref<3x256x128xf32, #tpu.memory_space<vmem>> -> memref<1x256x128xf32, #tpu.memory_space<vmem>>
    %dma_start3A_89 = tpu.memref_squeeze %dma_start3A_88 : memref<1x256x128xf32, #tpu.memory_space<vmem>> -> memref<256x128xf32, #tpu.memory_space<vmem>>
    tpu.enqueue_dma source(%dma_start3A_89 : memref<256x128xf32, #tpu.memory_space<vmem>>) target(%dma_start3A_85 : memref<256x128xf32, #tpu.memory_space<hbm>>) target_semaphore(%arg10 : memref<!tpu.dma_semaphore, #tpu.memory_space<semaphore_mem>>)
    %dma_start3A_90 = arith.constant 4 : i32
    %dma_start3A_91 = arith.constant 2 : i32
    %dma_start3A_92 = arith.constant 0 : i32
    %dma_start3A_93 = arith.constant 0 : i32
    %dma_start3A_94 = tpu.memref_slice %arg6[%dma_start3A_91, %dma_start3A_92, %dma_start3A_93] : memref<3x256x128xf32, #tpu.memory_space<vmem>> -> memref<1x128x128xf32, #tpu.memory_space<vmem>>
    %dma_start3A_95 = tpu.memref_squeeze %dma_start3A_94 : memref<1x128x128xf32, #tpu.memory_space<vmem>> -> memref<128x128xf32, #tpu.memory_space<vmem>>
    %dma_start3A_96 = arith.constant 0 : i32
    %dma_start3A_97 = tpu.memref_slice %arg5[%dma_start3A_90, %dma_start3A_96] : memref<200x128xi32, #tpu.memory_space<vmem>> -> memref<1x128xi32, #tpu.memory_space<vmem>>
    %dma_start3A_98 = tpu.memref_squeeze %dma_start3A_97 : memref<1x128xi32, #tpu.memory_space<vmem>> -> memref<128xi32, #tpu.memory_space<vmem>>
    %dma_start3A_99 = arith.constant 0 : i32
    %dma_start3A_100 = arith.constant 0 : i32
    %dma_start3A_101 = tpu.memref_slice %arg3[%dma_start3A_99, %dma_start3A_100] : memref<100000x128xf32, #tpu.memory_space<hbm>> -> memref<100000x128xf32, #tpu.memory_space<hbm>>
    tpu.enqueue_indirect_dma source(%dma_start3A_101 : memref<100000x128xf32, #tpu.memory_space<hbm>>) target(%dma_start3A_95 : memref<128x128xf32, #tpu.memory_space<vmem>>) offsets(%dma_start3A_98 : memref<128xi32, #tpu.memory_space<vmem>>) semaphore(%arg9 : memref<!tpu.dma_semaphore, #tpu.memory_space<semaphore_mem>>)
    %dma_start3A_102 = arith.constant 5 : i32
    %dma_start3A_103 = arith.constant 2 : i32
    %dma_start3A_104 = arith.constant 128 : i32
    %dma_start3A_105 = arith.constant 0 : i32
    %dma_start3A_106 = tpu.memref_slice %arg6[%dma_start3A_103, %dma_start3A_104, %dma_start3A_105] : memref<3x256x128xf32, #tpu.memory_space<vmem>> -> memref<1x128x128xf32, #tpu.memory_space<vmem>>
    %dma_start3A_107 = tpu.memref_squeeze %dma_start3A_106 : memref<1x128x128xf32, #tpu.memory_space<vmem>> -> memref<128x128xf32, #tpu.memory_space<vmem>>
    %dma_start3A_108 = arith.constant 0 : i32
    %dma_start3A_109 = tpu.memref_slice %arg5[%dma_start3A_102, %dma_start3A_108] : memref<200x128xi32, #tpu.memory_space<vmem>> -> memref<1x128xi32, #tpu.memory_space<vmem>>
    %dma_start3A_110 = tpu.memref_squeeze %dma_start3A_109 : memref<1x128xi32, #tpu.memory_space<vmem>> -> memref<128xi32, #tpu.memory_space<vmem>>
    %dma_start3A_111 = arith.constant 0 : i32
    %dma_start3A_112 = arith.constant 0 : i32
    %dma_start3A_113 = tpu.memref_slice %arg3[%dma_start3A_111, %dma_start3A_112] : memref<100000x128xf32, #tpu.memory_space<hbm>> -> memref<100000x128xf32, #tpu.memory_space<hbm>>
    tpu.enqueue_indirect_dma source(%dma_start3A_113 : memref<100000x128xf32, #tpu.memory_space<hbm>>) target(%dma_start3A_107 : memref<128x128xf32, #tpu.memory_space<vmem>>) offsets(%dma_start3A_110 : memref<128xi32, #tpu.memory_space<vmem>>) semaphore(%arg9 : memref<!tpu.dma_semaphore, #tpu.memory_space<semaphore_mem>>)
    %dma_wait3A_114 = arith.constant 2 : i32
    %dma_wait3A_115 = arith.constant 1 : i32
    %dma_wait3A_116 = arith.constant 0 : i32
    %dma_wait3A_117 = arith.constant 0 : i32
    %dma_wait3A_118 = tpu.memref_slice %arg6[%dma_wait3A_115, %dma_wait3A_116, %dma_wait3A_117] : memref<3x256x128xf32, #tpu.memory_space<vmem>> -> memref<1x128x128xf32, #tpu.memory_space<vmem>>
    %dma_wait3A_119 = tpu.memref_squeeze %dma_wait3A_118 : memref<1x128x128xf32, #tpu.memory_space<vmem>> -> memref<128x128xf32, #tpu.memory_space<vmem>>
    %dma_wait3A_120 = arith.constant 0 : i32
    %dma_wait3A_121 = tpu.memref_slice %arg5[%dma_wait3A_114, %dma_wait3A_120] : memref<200x128xi32, #tpu.memory_space<vmem>> -> memref<1x128xi32, #tpu.memory_space<vmem>>
    %dma_wait3A_122 = tpu.memref_squeeze %dma_wait3A_121 : memref<1x128xi32, #tpu.memory_space<vmem>> -> memref<128xi32, #tpu.memory_space<vmem>>
    %dma_wait3A_123 = arith.constant 0 : i32
    %dma_wait3A_124 = arith.constant 0 : i32
    %dma_wait3A_125 = tpu.memref_slice %arg3[%dma_wait3A_123, %dma_wait3A_124] : memref<100000x128xf32, #tpu.memory_space<hbm>> -> memref<100000x128xf32, #tpu.memory_space<hbm>>
    tpu.wait_indirect_dma semaphore(%arg8 : memref<!tpu.dma_semaphore, #tpu.memory_space<semaphore_mem>>) src(%dma_wait3A_125 : memref<100000x128xf32, #tpu.memory_space<hbm>>) dst(%dma_wait3A_119 : memref<128x128xf32, #tpu.memory_space<vmem>>)
    %dma_wait3A_126 = arith.constant 3 : i32
    %dma_wait3A_127 = arith.constant 1 : i32
    %dma_wait3A_128 = arith.constant 128 : i32
    %dma_wait3A_129 = arith.constant 0 : i32
    %dma_wait3A_130 = tpu.memref_slice %arg6[%dma_wait3A_127, %dma_wait3A_128, %dma_wait3A_129] : memref<3x256x128xf32, #tpu.memory_space<vmem>> -> memref<1x128x128xf32, #tpu.memory_space<vmem>>
    %dma_wait3A_131 = tpu.memref_squeeze %dma_wait3A_130 : memref<1x128x128xf32, #tpu.memory_space<vmem>> -> memref<128x128xf32, #tpu.memory_space<vmem>>
    %dma_wait3A_132 = arith.constant 0 : i32
    %dma_wait3A_133 = tpu.memref_slice %arg5[%dma_wait3A_126, %dma_wait3A_132] : memref<200x128xi32, #tpu.memory_space<vmem>> -> memref<1x128xi32, #tpu.memory_space<vmem>>
    %dma_wait3A_134 = tpu.memref_squeeze %dma_wait3A_133 : memref<1x128xi32, #tpu.memory_space<vmem>> -> memref<128xi32, #tpu.memory_space<vmem>>
    %dma_wait3A_135 = arith.constant 0 : i32
    %dma_wait3A_136 = arith.constant 0 : i32
    %dma_wait3A_137 = tpu.memref_slice %arg3[%dma_wait3A_135, %dma_wait3A_136] : memref<100000x128xf32, #tpu.memory_space<hbm>> -> memref<100000x128xf32, #tpu.memory_space<hbm>>
    tpu.wait_indirect_dma semaphore(%arg8 : memref<!tpu.dma_semaphore, #tpu.memory_space<semaphore_mem>>) src(%dma_wait3A_137 : memref<100000x128xf32, #tpu.memory_space<hbm>>) dst(%dma_wait3A_131 : memref<128x128xf32, #tpu.memory_space<vmem>>)
    %add3A_138 = arith.constant 256 : i32
    %add3A_139 = arith.addi %mul3A_4, %add3A_138 : i32
    %dma_start3A_140 = arith.constant 1 : i32
    %dma_start3A_141 = arith.constant 0 : i32
    %dma_start3A_142 = arith.constant 0 : i32
    %dma_start3A_143 = tpu.memref_slice %arg6[%dma_start3A_140, %dma_start3A_141, %dma_start3A_142] : memref<3x256x128xf32, #tpu.memory_space<vmem>> -> memref<1x256x128xf32, #tpu.memory_space<vmem>>
    %dma_start3A_144 = tpu.memref_squeeze %dma_start3A_143 : memref<1x256x128xf32, #tpu.memory_space<vmem>> -> memref<256x128xf32, #tpu.memory_space<vmem>>
    %dma_start3A_145 = arith.constant 0 : i32
    %dma_start3A_146 = tpu.memref_slice %arg4[%add3A_139, %dma_start3A_145] : memref<819200x128xf32, #tpu.memory_space<hbm>> -> memref<256x128xf32, #tpu.memory_space<hbm>>
    %dma_start3A_147 = arith.constant 0 : i32
    %dma_start3A_148 = tpu.memref_slice %arg4[%add3A_139, %dma_start3A_147] : memref<819200x128xf32, #tpu.memory_space<hbm>> -> memref<256x128xf32, #tpu.memory_space<hbm>>
    %dma_start3A_149 = arith.constant 0 : i32
    %dma_start3A_150 = arith.constant 0 : i32
    %dma_start3A_151 = tpu.memref_slice %arg6[%dma_start3A_140, %dma_start3A_149, %dma_start3A_150] : memref<3x256x128xf32, #tpu.memory_space<vmem>> -> memref<1x256x128xf32, #tpu.memory_space<vmem>>
    %dma_start3A_152 = tpu.memref_squeeze %dma_start3A_151 : memref<1x256x128xf32, #tpu.memory_space<vmem>> -> memref<256x128xf32, #tpu.memory_space<vmem>>
    tpu.enqueue_dma source(%dma_start3A_152 : memref<256x128xf32, #tpu.memory_space<vmem>>) target(%dma_start3A_148 : memref<256x128xf32, #tpu.memory_space<hbm>>) target_semaphore(%arg11 : memref<!tpu.dma_semaphore, #tpu.memory_space<semaphore_mem>>)
    %scan3A = arith.constant 0 : i32
    %scan3A_153 = arith.constant 1 : i32
    %scan3A_154 = arith.constant 32 : i32
    %scan3A_155 = arith.addi %scan3A_153, %scan3A_154 : i32
    %scan3A_156 = arith.constant 1 : i32
    scf.for %scan3A_320 = %scan3A_153 to %scan3A_155 step %scan3A_156  : i32 {
      %mul3A_321 = arith.constant 3 : i32
      %mul3A_322 = arith.muli %mul3A_321, %scan3A_320 : i32
      %sub3A = arith.constant 1 : i32
      %sub3A_323 = arith.subi %mul3A_322, %sub3A : i32
      %mul3A_324 = arith.constant 2 : i32
      %mul3A_325 = arith.muli %sub3A_323, %mul3A_324 : i32
      %add3A_326 = arith.constant 0 : i32
      %add3A_327 = arith.addi %mul3A_325, %add3A_326 : i32
      %dma_wait3A_328 = arith.constant 2 : i32
      %dma_wait3A_329 = arith.constant 0 : i32
      %dma_wait3A_330 = arith.constant 0 : i32
      %dma_wait3A_331 = tpu.memref_slice %arg6[%dma_wait3A_328, %dma_wait3A_329, %dma_wait3A_330] : memref<3x256x128xf32, #tpu.memory_space<vmem>> -> memref<1x128x128xf32, #tpu.memory_space<vmem>>
      %dma_wait3A_332 = tpu.memref_squeeze %dma_wait3A_331 : memref<1x128x128xf32, #tpu.memory_space<vmem>> -> memref<128x128xf32, #tpu.memory_space<vmem>>
      %dma_wait3A_333 = arith.constant 0 : i32
      %dma_wait3A_334 = tpu.memref_slice %arg5[%add3A_327, %dma_wait3A_333] : memref<200x128xi32, #tpu.memory_space<vmem>> -> memref<1x128xi32, #tpu.memory_space<vmem>>
      %dma_wait3A_335 = tpu.memref_squeeze %dma_wait3A_334 : memref<1x128xi32, #tpu.memory_space<vmem>> -> memref<128xi32, #tpu.memory_space<vmem>>
      %dma_wait3A_336 = arith.constant 0 : i32
      %dma_wait3A_337 = arith.constant 0 : i32
      %dma_wait3A_338 = tpu.memref_slice %arg3[%dma_wait3A_336, %dma_wait3A_337] : memref<100000x128xf32, #tpu.memory_space<hbm>> -> memref<100000x128xf32, #tpu.memory_space<hbm>>
      tpu.wait_indirect_dma semaphore(%arg9 : memref<!tpu.dma_semaphore, #tpu.memory_space<semaphore_mem>>) src(%dma_wait3A_338 : memref<100000x128xf32, #tpu.memory_space<hbm>>) dst(%dma_wait3A_332 : memref<128x128xf32, #tpu.memory_space<vmem>>)
      %mul3A_339 = arith.constant 2 : i32
      %mul3A_340 = arith.muli %sub3A_323, %mul3A_339 : i32
      %add3A_341 = arith.constant 1 : i32
      %add3A_342 = arith.addi %mul3A_340, %add3A_341 : i32
      %dma_wait3A_343 = arith.constant 2 : i32
      %dma_wait3A_344 = arith.constant 128 : i32
      %dma_wait3A_345 = arith.constant 0 : i32
      %dma_wait3A_346 = tpu.memref_slice %arg6[%dma_wait3A_343, %dma_wait3A_344, %dma_wait3A_345] : memref<3x256x128xf32, #tpu.memory_space<vmem>> -> memref<1x128x128xf32, #tpu.memory_space<vmem>>
      %dma_wait3A_347 = tpu.memref_squeeze %dma_wait3A_346 : memref<1x128x128xf32, #tpu.memory_space<vmem>> -> memref<128x128xf32, #tpu.memory_space<vmem>>
      %dma_wait3A_348 = arith.constant 0 : i32
      %dma_wait3A_349 = tpu.memref_slice %arg5[%add3A_342, %dma_wait3A_348] : memref<200x128xi32, #tpu.memory_space<vmem>> -> memref<1x128xi32, #tpu.memory_space<vmem>>
      %dma_wait3A_350 = tpu.memref_squeeze %dma_wait3A_349 : memref<1x128xi32, #tpu.memory_space<vmem>> -> memref<128xi32, #tpu.memory_space<vmem>>
      %dma_wait3A_351 = arith.constant 0 : i32
      %dma_wait3A_352 = arith.constant 0 : i32
      %dma_wait3A_353 = tpu.memref_slice %arg3[%dma_wait3A_351, %dma_wait3A_352] : memref<100000x128xf32, #tpu.memory_space<hbm>> -> memref<100000x128xf32, #tpu.memory_space<hbm>>
      tpu.wait_indirect_dma semaphore(%arg9 : memref<!tpu.dma_semaphore, #tpu.memory_space<semaphore_mem>>) src(%dma_wait3A_353 : memref<100000x128xf32, #tpu.memory_space<hbm>>) dst(%dma_wait3A_347 : memref<128x128xf32, #tpu.memory_space<vmem>>)
      %sub3A_354 = arith.constant 1 : i32
      %sub3A_355 = arith.subi %mul3A_322, %sub3A_354 : i32
      %mul3A_356 = arith.constant 256 : i32
      %mul3A_357 = arith.muli %sub3A_355, %mul3A_356 : i32
      %add3A_358 = arith.addi %mul3A_4, %mul3A_357 : i32
      %dma_start3A_359 = arith.constant 2 : i32
      %dma_start3A_360 = arith.constant 0 : i32
      %dma_start3A_361 = arith.constant 0 : i32
      %dma_start3A_362 = tpu.memref_slice %arg6[%dma_start3A_359, %dma_start3A_360, %dma_start3A_361] : memref<3x256x128xf32, #tpu.memory_space<vmem>> -> memref<1x256x128xf32, #tpu.memory_space<vmem>>
      %dma_start3A_363 = tpu.memref_squeeze %dma_start3A_362 : memref<1x256x128xf32, #tpu.memory_space<vmem>> -> memref<256x128xf32, #tpu.memory_space<vmem>>
      %dma_start3A_364 = arith.constant 0 : i32
      %dma_start3A_365 = tpu.memref_slice %arg4[%add3A_358, %dma_start3A_364] : memref<819200x128xf32, #tpu.memory_space<hbm>> -> memref<256x128xf32, #tpu.memory_space<hbm>>
      %dma_start3A_366 = arith.constant 0 : i32
      %dma_start3A_367 = tpu.memref_slice %arg4[%add3A_358, %dma_start3A_366] : memref<819200x128xf32, #tpu.memory_space<hbm>> -> memref<256x128xf32, #tpu.memory_space<hbm>>
      %dma_start3A_368 = arith.constant 0 : i32
      %dma_start3A_369 = arith.constant 0 : i32
      %dma_start3A_370 = tpu.memref_slice %arg6[%dma_start3A_359, %dma_start3A_368, %dma_start3A_369] : memref<3x256x128xf32, #tpu.memory_space<vmem>> -> memref<1x256x128xf32, #tpu.memory_space<vmem>>
      %dma_start3A_371 = tpu.memref_squeeze %dma_start3A_370 : memref<1x256x128xf32, #tpu.memory_space<vmem>> -> memref<256x128xf32, #tpu.memory_space<vmem>>
      tpu.enqueue_dma source(%dma_start3A_371 : memref<256x128xf32, #tpu.memory_space<vmem>>) target(%dma_start3A_367 : memref<256x128xf32, #tpu.memory_space<hbm>>) target_semaphore(%arg12 : memref<!tpu.dma_semaphore, #tpu.memory_space<semaphore_mem>>)
      %sub3A_372 = arith.constant 3 : i32
      %sub3A_373 = arith.subi %mul3A_322, %sub3A_372 : i32
      %mul3A_374 = arith.constant 256 : i32
      %mul3A_375 = arith.muli %sub3A_373, %mul3A_374 : i32
      %add3A_376 = arith.addi %mul3A_4, %mul3A_375 : i32
      %dma_wait3A_377 = arith.constant 0 : i32
      %dma_wait3A_378 = arith.constant 0 : i32
      %dma_wait3A_379 = arith.constant 0 : i32
      %dma_wait3A_380 = tpu.memref_slice %arg6[%dma_wait3A_377, %dma_wait3A_378, %dma_wait3A_379] : memref<3x256x128xf32, #tpu.memory_space<vmem>> -> memref<1x256x128xf32, #tpu.memory_space<vmem>>
      %dma_wait3A_381 = tpu.memref_squeeze %dma_wait3A_380 : memref<1x256x128xf32, #tpu.memory_space<vmem>> -> memref<256x128xf32, #tpu.memory_space<vmem>>
      %dma_wait3A_382 = arith.constant 0 : i32
      %dma_wait3A_383 = tpu.memref_slice %arg4[%add3A_376, %dma_wait3A_382] : memref<819200x128xf32, #tpu.memory_space<hbm>> -> memref<256x128xf32, #tpu.memory_space<hbm>>
      %dma_wait3A_384 = arith.constant 0 : i32
      %dma_wait3A_385 = tpu.memref_slice %arg4[%add3A_376, %dma_wait3A_384] : memref<819200x128xf32, #tpu.memory_space<hbm>> -> memref<256x128xf32, #tpu.memory_space<hbm>>
      %dma_wait3A_386 = arith.constant 0 : i32
      %dma_wait3A_387 = arith.constant 0 : i32
      %dma_wait3A_388 = tpu.memref_slice %arg6[%dma_wait3A_377, %dma_wait3A_386, %dma_wait3A_387] : memref<3x256x128xf32, #tpu.memory_space<vmem>> -> memref<1x256x128xf32, #tpu.memory_space<vmem>>
      %dma_wait3A_389 = tpu.memref_squeeze %dma_wait3A_388 : memref<1x256x128xf32, #tpu.memory_space<vmem>> -> memref<256x128xf32, #tpu.memory_space<vmem>>
      tpu.wait_dma2 semaphore(%arg10 : memref<!tpu.dma_semaphore, #tpu.memory_space<semaphore_mem>>) src(%dma_wait3A_389 : memref<256x128xf32, #tpu.memory_space<vmem>>) dst(%dma_wait3A_385 : memref<256x128xf32, #tpu.memory_space<hbm>>)
      %mul3A_390 = arith.constant 2 : i32
      %mul3A_391 = arith.muli %mul3A_322, %mul3A_390 : i32
      %add3A_392 = arith.constant 0 : i32
      %add3A_393 = arith.addi %mul3A_391, %add3A_392 : i32
      %dma_start3A_394 = arith.constant 0 : i32
      %dma_start3A_395 = arith.constant 0 : i32
      %dma_start3A_396 = arith.constant 0 : i32
      %dma_start3A_397 = tpu.memref_slice %arg6[%dma_start3A_394, %dma_start3A_395, %dma_start3A_396] : memref<3x256x128xf32, #tpu.memory_space<vmem>> -> memref<1x128x128xf32, #tpu.memory_space<vmem>>
      %dma_start3A_398 = tpu.memref_squeeze %dma_start3A_397 : memref<1x128x128xf32, #tpu.memory_space<vmem>> -> memref<128x128xf32, #tpu.memory_space<vmem>>
      %dma_start3A_399 = arith.constant 0 : i32
      %dma_start3A_400 = tpu.memref_slice %arg5[%add3A_393, %dma_start3A_399] : memref<200x128xi32, #tpu.memory_space<vmem>> -> memref<1x128xi32, #tpu.memory_space<vmem>>
      %dma_start3A_401 = tpu.memref_squeeze %dma_start3A_400 : memref<1x128xi32, #tpu.memory_space<vmem>> -> memref<128xi32, #tpu.memory_space<vmem>>
      %dma_start3A_402 = arith.constant 0 : i32
      %dma_start3A_403 = arith.constant 0 : i32
      %dma_start3A_404 = tpu.memref_slice %arg3[%dma_start3A_402, %dma_start3A_403] : memref<100000x128xf32, #tpu.memory_space<hbm>> -> memref<100000x128xf32, #tpu.memory_space<hbm>>
      tpu.enqueue_indirect_dma source(%dma_start3A_404 : memref<100000x128xf32, #tpu.memory_space<hbm>>) target(%dma_start3A_398 : memref<128x128xf32, #tpu.memory_space<vmem>>) offsets(%dma_start3A_401 : memref<128xi32, #tpu.memory_space<vmem>>) semaphore(%arg7 : memref<!tpu.dma_semaphore, #tpu.memory_space<semaphore_mem>>)
      %mul3A_405 = arith.constant 2 : i32
      %mul3A_406 = arith.muli %mul3A_322, %mul3A_405 : i32
      %add3A_407 = arith.constant 1 : i32
      %add3A_408 = arith.addi %mul3A_406, %add3A_407 : i32
      %dma_start3A_409 = arith.constant 0 : i32
      %dma_start3A_410 = arith.constant 128 : i32
      %dma_start3A_411 = arith.constant 0 : i32
      %dma_start3A_412 = tpu.memref_slice %arg6[%dma_start3A_409, %dma_start3A_410, %dma_start3A_411] : memref<3x256x128xf32, #tpu.memory_space<vmem>> -> memref<1x128x128xf32, #tpu.memory_space<vmem>>
      %dma_start3A_413 = tpu.memref_squeeze %dma_start3A_412 : memref<1x128x128xf32, #tpu.memory_space<vmem>> -> memref<128x128xf32, #tpu.memory_space<vmem>>
      %dma_start3A_414 = arith.constant 0 : i32
      %dma_start3A_415 = tpu.memref_slice %arg5[%add3A_408, %dma_start3A_414] : memref<200x128xi32, #tpu.memory_space<vmem>> -> memref<1x128xi32, #tpu.memory_space<vmem>>
      %dma_start3A_416 = tpu.memref_squeeze %dma_start3A_415 : memref<1x128xi32, #tpu.memory_space<vmem>> -> memref<128xi32, #tpu.memory_space<vmem>>
      %dma_start3A_417 = arith.constant 0 : i32
      %dma_start3A_418 = arith.constant 0 : i32
      %dma_start3A_419 = tpu.memref_slice %arg3[%dma_start3A_417, %dma_start3A_418] : memref<100000x128xf32, #tpu.memory_space<hbm>> -> memref<100000x128xf32, #tpu.memory_space<hbm>>
      tpu.enqueue_indirect_dma source(%dma_start3A_419 : memref<100000x128xf32, #tpu.memory_space<hbm>>) target(%dma_start3A_413 : memref<128x128xf32, #tpu.memory_space<vmem>>) offsets(%dma_start3A_416 : memref<128xi32, #tpu.memory_space<vmem>>) semaphore(%arg7 : memref<!tpu.dma_semaphore, #tpu.memory_space<semaphore_mem>>)
      %mul3A_420 = arith.constant 3 : i32
      %mul3A_421 = arith.muli %mul3A_420, %scan3A_320 : i32
      %add3A_422 = arith.constant 1 : i32
      %add3A_423 = arith.addi %mul3A_421, %add3A_422 : i32
      %sub3A_424 = arith.constant 1 : i32
      %sub3A_425 = arith.subi %add3A_423, %sub3A_424 : i32
      %mul3A_426 = arith.constant 2 : i32
      %mul3A_427 = arith.muli %sub3A_425, %mul3A_426 : i32
      %add3A_428 = arith.constant 0 : i32
      %add3A_429 = arith.addi %mul3A_427, %add3A_428 : i32
      %dma_wait3A_430 = arith.constant 0 : i32
      %dma_wait3A_431 = arith.constant 0 : i32
      %dma_wait3A_432 = arith.constant 0 : i32
      %dma_wait3A_433 = tpu.memref_slice %arg6[%dma_wait3A_430, %dma_wait3A_431, %dma_wait3A_432] : memref<3x256x128xf32, #tpu.memory_space<vmem>> -> memref<1x128x128xf32, #tpu.memory_space<vmem>>
      %dma_wait3A_434 = tpu.memref_squeeze %dma_wait3A_433 : memref<1x128x128xf32, #tpu.memory_space<vmem>> -> memref<128x128xf32, #tpu.memory_space<vmem>>
      %dma_wait3A_435 = arith.constant 0 : i32
      %dma_wait3A_436 = tpu.memref_slice %arg5[%add3A_429, %dma_wait3A_435] : memref<200x128xi32, #tpu.memory_space<vmem>> -> memref<1x128xi32, #tpu.memory_space<vmem>>
      %dma_wait3A_437 = tpu.memref_squeeze %dma_wait3A_436 : memref<1x128xi32, #tpu.memory_space<vmem>> -> memref<128xi32, #tpu.memory_space<vmem>>
      %dma_wait3A_438 = arith.constant 0 : i32
      %dma_wait3A_439 = arith.constant 0 : i32
      %dma_wait3A_440 = tpu.memref_slice %arg3[%dma_wait3A_438, %dma_wait3A_439] : memref<100000x128xf32, #tpu.memory_space<hbm>> -> memref<100000x128xf32, #tpu.memory_space<hbm>>
      tpu.wait_indirect_dma semaphore(%arg7 : memref<!tpu.dma_semaphore, #tpu.memory_space<semaphore_mem>>) src(%dma_wait3A_440 : memref<100000x128xf32, #tpu.memory_space<hbm>>) dst(%dma_wait3A_434 : memref<128x128xf32, #tpu.memory_space<vmem>>)
      %mul3A_441 = arith.constant 2 : i32
      %mul3A_442 = arith.muli %sub3A_425, %mul3A_441 : i32
      %add3A_443 = arith.constant 1 : i32
      %add3A_444 = arith.addi %mul3A_442, %add3A_443 : i32
      %dma_wait3A_445 = arith.constant 0 : i32
      %dma_wait3A_446 = arith.constant 128 : i32
      %dma_wait3A_447 = arith.constant 0 : i32
      %dma_wait3A_448 = tpu.memref_slice %arg6[%dma_wait3A_445, %dma_wait3A_446, %dma_wait3A_447] : memref<3x256x128xf32, #tpu.memory_space<vmem>> -> memref<1x128x128xf32, #tpu.memory_space<vmem>>
      %dma_wait3A_449 = tpu.memref_squeeze %dma_wait3A_448 : memref<1x128x128xf32, #tpu.memory_space<vmem>> -> memref<128x128xf32, #tpu.memory_space<vmem>>
      %dma_wait3A_450 = arith.constant 0 : i32
      %dma_wait3A_451 = tpu.memref_slice %arg5[%add3A_444, %dma_wait3A_450] : memref<200x128xi32, #tpu.memory_space<vmem>> -> memref<1x128xi32, #tpu.memory_space<vmem>>
      %dma_wait3A_452 = tpu.memref_squeeze %dma_wait3A_451 : memref<1x128xi32, #tpu.memory_space<vmem>> -> memref<128xi32, #tpu.memory_space<vmem>>
      %dma_wait3A_453 = arith.constant 0 : i32
      %dma_wait3A_454 = arith.constant 0 : i32
      %dma_wait3A_455 = tpu.memref_slice %arg3[%dma_wait3A_453, %dma_wait3A_454] : memref<100000x128xf32, #tpu.memory_space<hbm>> -> memref<100000x128xf32, #tpu.memory_space<hbm>>
      tpu.wait_indirect_dma semaphore(%arg7 : memref<!tpu.dma_semaphore, #tpu.memory_space<semaphore_mem>>) src(%dma_wait3A_455 : memref<100000x128xf32, #tpu.memory_space<hbm>>) dst(%dma_wait3A_449 : memref<128x128xf32, #tpu.memory_space<vmem>>)
      %sub3A_456 = arith.constant 1 : i32
      %sub3A_457 = arith.subi %add3A_423, %sub3A_456 : i32
      %mul3A_458 = arith.constant 256 : i32
      %mul3A_459 = arith.muli %sub3A_457, %mul3A_458 : i32
      %add3A_460 = arith.addi %mul3A_4, %mul3A_459 : i32
      %dma_start3A_461 = arith.constant 0 : i32
      %dma_start3A_462 = arith.constant 0 : i32
      %dma_start3A_463 = arith.constant 0 : i32
      %dma_start3A_464 = tpu.memref_slice %arg6[%dma_start3A_461, %dma_start3A_462, %dma_start3A_463] : memref<3x256x128xf32, #tpu.memory_space<vmem>> -> memref<1x256x128xf32, #tpu.memory_space<vmem>>
      %dma_start3A_465 = tpu.memref_squeeze %dma_start3A_464 : memref<1x256x128xf32, #tpu.memory_space<vmem>> -> memref<256x128xf32, #tpu.memory_space<vmem>>
      %dma_start3A_466 = arith.constant 0 : i32
      %dma_start3A_467 = tpu.memref_slice %arg4[%add3A_460, %dma_start3A_466] : memref<819200x128xf32, #tpu.memory_space<hbm>> -> memref<256x128xf32, #tpu.memory_space<hbm>>
      %dma_start3A_468 = arith.constant 0 : i32
      %dma_start3A_469 = tpu.memref_slice %arg4[%add3A_460, %dma_start3A_468] : memref<819200x128xf32, #tpu.memory_space<hbm>> -> memref<256x128xf32, #tpu.memory_space<hbm>>
      %dma_start3A_470 = arith.constant 0 : i32
      %dma_start3A_471 = arith.constant 0 : i32
      %dma_start3A_472 = tpu.memref_slice %arg6[%dma_start3A_461, %dma_start3A_470, %dma_start3A_471] : memref<3x256x128xf32, #tpu.memory_space<vmem>> -> memref<1x256x128xf32, #tpu.memory_space<vmem>>
      %dma_start3A_473 = tpu.memref_squeeze %dma_start3A_472 : memref<1x256x128xf32, #tpu.memory_space<vmem>> -> memref<256x128xf32, #tpu.memory_space<vmem>>
      tpu.enqueue_dma source(%dma_start3A_473 : memref<256x128xf32, #tpu.memory_space<vmem>>) target(%dma_start3A_469 : memref<256x128xf32, #tpu.memory_space<hbm>>) target_semaphore(%arg10 : memref<!tpu.dma_semaphore, #tpu.memory_space<semaphore_mem>>)
      %sub3A_474 = arith.constant 3 : i32
      %sub3A_475 = arith.subi %add3A_423, %sub3A_474 : i32
      %mul3A_476 = arith.constant 256 : i32
      %mul3A_477 = arith.muli %sub3A_475, %mul3A_476 : i32
      %add3A_478 = arith.addi %mul3A_4, %mul3A_477 : i32
      %dma_wait3A_479 = arith.constant 1 : i32
      %dma_wait3A_480 = arith.constant 0 : i32
      %dma_wait3A_481 = arith.constant 0 : i32
      %dma_wait3A_482 = tpu.memref_slice %arg6[%dma_wait3A_479, %dma_wait3A_480, %dma_wait3A_481] : memref<3x256x128xf32, #tpu.memory_space<vmem>> -> memref<1x256x128xf32, #tpu.memory_space<vmem>>
      %dma_wait3A_483 = tpu.memref_squeeze %dma_wait3A_482 : memref<1x256x128xf32, #tpu.memory_space<vmem>> -> memref<256x128xf32, #tpu.memory_space<vmem>>
      %dma_wait3A_484 = arith.constant 0 : i32
      %dma_wait3A_485 = tpu.memref_slice %arg4[%add3A_478, %dma_wait3A_484] : memref<819200x128xf32, #tpu.memory_space<hbm>> -> memref<256x128xf32, #tpu.memory_space<hbm>>
      %dma_wait3A_486 = arith.constant 0 : i32
      %dma_wait3A_487 = tpu.memref_slice %arg4[%add3A_478, %dma_wait3A_486] : memref<819200x128xf32, #tpu.memory_space<hbm>> -> memref<256x128xf32, #tpu.memory_space<hbm>>
      %dma_wait3A_488 = arith.constant 0 : i32
      %dma_wait3A_489 = arith.constant 0 : i32
      %dma_wait3A_490 = tpu.memref_slice %arg6[%dma_wait3A_479, %dma_wait3A_488, %dma_wait3A_489] : memref<3x256x128xf32, #tpu.memory_space<vmem>> -> memref<1x256x128xf32, #tpu.memory_space<vmem>>
      %dma_wait3A_491 = tpu.memref_squeeze %dma_wait3A_490 : memref<1x256x128xf32, #tpu.memory_space<vmem>> -> memref<256x128xf32, #tpu.memory_space<vmem>>
      tpu.wait_dma2 semaphore(%arg11 : memref<!tpu.dma_semaphore, #tpu.memory_space<semaphore_mem>>) src(%dma_wait3A_491 : memref<256x128xf32, #tpu.memory_space<vmem>>) dst(%dma_wait3A_487 : memref<256x128xf32, #tpu.memory_space<hbm>>)
      %mul3A_492 = arith.constant 2 : i32
      %mul3A_493 = arith.muli %add3A_423, %mul3A_492 : i32
      %add3A_494 = arith.constant 0 : i32
      %add3A_495 = arith.addi %mul3A_493, %add3A_494 : i32
      %dma_start3A_496 = arith.constant 1 : i32
      %dma_start3A_497 = arith.constant 0 : i32
      %dma_start3A_498 = arith.constant 0 : i32
      %dma_start3A_499 = tpu.memref_slice %arg6[%dma_start3A_496, %dma_start3A_497, %dma_start3A_498] : memref<3x256x128xf32, #tpu.memory_space<vmem>> -> memref<1x128x128xf32, #tpu.memory_space<vmem>>
      %dma_start3A_500 = tpu.memref_squeeze %dma_start3A_499 : memref<1x128x128xf32, #tpu.memory_space<vmem>> -> memref<128x128xf32, #tpu.memory_space<vmem>>
      %dma_start3A_501 = arith.constant 0 : i32
      %dma_start3A_502 = tpu.memref_slice %arg5[%add3A_495, %dma_start3A_501] : memref<200x128xi32, #tpu.memory_space<vmem>> -> memref<1x128xi32, #tpu.memory_space<vmem>>
      %dma_start3A_503 = tpu.memref_squeeze %dma_start3A_502 : memref<1x128xi32, #tpu.memory_space<vmem>> -> memref<128xi32, #tpu.memory_space<vmem>>
      %dma_start3A_504 = arith.constant 0 : i32
      %dma_start3A_505 = arith.constant 0 : i32
      %dma_start3A_506 = tpu.memref_slice %arg3[%dma_start3A_504, %dma_start3A_505] : memref<100000x128xf32, #tpu.memory_space<hbm>> -> memref<100000x128xf32, #tpu.memory_space<hbm>>
      tpu.enqueue_indirect_dma source(%dma_start3A_506 : memref<100000x128xf32, #tpu.memory_space<hbm>>) target(%dma_start3A_500 : memref<128x128xf32, #tpu.memory_space<vmem>>) offsets(%dma_start3A_503 : memref<128xi32, #tpu.memory_space<vmem>>) semaphore(%arg8 : memref<!tpu.dma_semaphore, #tpu.memory_space<semaphore_mem>>)
      %mul3A_507 = arith.constant 2 : i32
      %mul3A_508 = arith.muli %add3A_423, %mul3A_507 : i32
      %add3A_509 = arith.constant 1 : i32
      %add3A_510 = arith.addi %mul3A_508, %add3A_509 : i32
      %dma_start3A_511 = arith.constant 1 : i32
      %dma_start3A_512 = arith.constant 128 : i32
      %dma_start3A_513 = arith.constant 0 : i32
      %dma_start3A_514 = tpu.memref_slice %arg6[%dma_start3A_511, %dma_start3A_512, %dma_start3A_513] : memref<3x256x128xf32, #tpu.memory_space<vmem>> -> memref<1x128x128xf32, #tpu.memory_space<vmem>>
      %dma_start3A_515 = tpu.memref_squeeze %dma_start3A_514 : memref<1x128x128xf32, #tpu.memory_space<vmem>> -> memref<128x128xf32, #tpu.memory_space<vmem>>
      %dma_start3A_516 = arith.constant 0 : i32
      %dma_start3A_517 = tpu.memref_slice %arg5[%add3A_510, %dma_start3A_516] : memref<200x128xi32, #tpu.memory_space<vmem>> -> memref<1x128xi32, #tpu.memory_space<vmem>>
      %dma_start3A_518 = tpu.memref_squeeze %dma_start3A_517 : memref<1x128xi32, #tpu.memory_space<vmem>> -> memref<128xi32, #tpu.memory_space<vmem>>
      %dma_start3A_519 = arith.constant 0 : i32
      %dma_start3A_520 = arith.constant 0 : i32
      %dma_start3A_521 = tpu.memref_slice %arg3[%dma_start3A_519, %dma_start3A_520] : memref<100000x128xf32, #tpu.memory_space<hbm>> -> memref<100000x128xf32, #tpu.memory_space<hbm>>
      tpu.enqueue_indirect_dma source(%dma_start3A_521 : memref<100000x128xf32, #tpu.memory_space<hbm>>) target(%dma_start3A_515 : memref<128x128xf32, #tpu.memory_space<vmem>>) offsets(%dma_start3A_518 : memref<128xi32, #tpu.memory_space<vmem>>) semaphore(%arg8 : memref<!tpu.dma_semaphore, #tpu.memory_space<semaphore_mem>>)
      %mul3A_522 = arith.constant 3 : i32
      %mul3A_523 = arith.muli %mul3A_522, %scan3A_320 : i32
      %add3A_524 = arith.constant 2 : i32
      %add3A_525 = arith.addi %mul3A_523, %add3A_524 : i32
      %sub3A_526 = arith.constant 1 : i32
      %sub3A_527 = arith.subi %add3A_525, %sub3A_526 : i32
      %mul3A_528 = arith.constant 2 : i32
      %mul3A_529 = arith.muli %sub3A_527, %mul3A_528 : i32
      %add3A_530 = arith.constant 0 : i32
      %add3A_531 = arith.addi %mul3A_529, %add3A_530 : i32
      %dma_wait3A_532 = arith.constant 1 : i32
      %dma_wait3A_533 = arith.constant 0 : i32
      %dma_wait3A_534 = arith.constant 0 : i32
      %dma_wait3A_535 = tpu.memref_slice %arg6[%dma_wait3A_532, %dma_wait3A_533, %dma_wait3A_534] : memref<3x256x128xf32, #tpu.memory_space<vmem>> -> memref<1x128x128xf32, #tpu.memory_space<vmem>>
      %dma_wait3A_536 = tpu.memref_squeeze %dma_wait3A_535 : memref<1x128x128xf32, #tpu.memory_space<vmem>> -> memref<128x128xf32, #tpu.memory_space<vmem>>
      %dma_wait3A_537 = arith.constant 0 : i32
      %dma_wait3A_538 = tpu.memref_slice %arg5[%add3A_531, %dma_wait3A_537] : memref<200x128xi32, #tpu.memory_space<vmem>> -> memref<1x128xi32, #tpu.memory_space<vmem>>
      %dma_wait3A_539 = tpu.memref_squeeze %dma_wait3A_538 : memref<1x128xi32, #tpu.memory_space<vmem>> -> memref<128xi32, #tpu.memory_space<vmem>>
      %dma_wait3A_540 = arith.constant 0 : i32
      %dma_wait3A_541 = arith.constant 0 : i32
      %dma_wait3A_542 = tpu.memref_slice %arg3[%dma_wait3A_540, %dma_wait3A_541] : memref<100000x128xf32, #tpu.memory_space<hbm>> -> memref<100000x128xf32, #tpu.memory_space<hbm>>
      tpu.wait_indirect_dma semaphore(%arg8 : memref<!tpu.dma_semaphore, #tpu.memory_space<semaphore_mem>>) src(%dma_wait3A_542 : memref<100000x128xf32, #tpu.memory_space<hbm>>) dst(%dma_wait3A_536 : memref<128x128xf32, #tpu.memory_space<vmem>>)
      %mul3A_543 = arith.constant 2 : i32
      %mul3A_544 = arith.muli %sub3A_527, %mul3A_543 : i32
      %add3A_545 = arith.constant 1 : i32
      %add3A_546 = arith.addi %mul3A_544, %add3A_545 : i32
      %dma_wait3A_547 = arith.constant 1 : i32
      %dma_wait3A_548 = arith.constant 128 : i32
      %dma_wait3A_549 = arith.constant 0 : i32
      %dma_wait3A_550 = tpu.memref_slice %arg6[%dma_wait3A_547, %dma_wait3A_548, %dma_wait3A_549] : memref<3x256x128xf32, #tpu.memory_space<vmem>> -> memref<1x128x128xf32, #tpu.memory_space<vmem>>
      %dma_wait3A_551 = tpu.memref_squeeze %dma_wait3A_550 : memref<1x128x128xf32, #tpu.memory_space<vmem>> -> memref<128x128xf32, #tpu.memory_space<vmem>>
      %dma_wait3A_552 = arith.constant 0 : i32
      %dma_wait3A_553 = tpu.memref_slice %arg5[%add3A_546, %dma_wait3A_552] : memref<200x128xi32, #tpu.memory_space<vmem>> -> memref<1x128xi32, #tpu.memory_space<vmem>>
      %dma_wait3A_554 = tpu.memref_squeeze %dma_wait3A_553 : memref<1x128xi32, #tpu.memory_space<vmem>> -> memref<128xi32, #tpu.memory_space<vmem>>
      %dma_wait3A_555 = arith.constant 0 : i32
      %dma_wait3A_556 = arith.constant 0 : i32
      %dma_wait3A_557 = tpu.memref_slice %arg3[%dma_wait3A_555, %dma_wait3A_556] : memref<100000x128xf32, #tpu.memory_space<hbm>> -> memref<100000x128xf32, #tpu.memory_space<hbm>>
      tpu.wait_indirect_dma semaphore(%arg8 : memref<!tpu.dma_semaphore, #tpu.memory_space<semaphore_mem>>) src(%dma_wait3A_557 : memref<100000x128xf32, #tpu.memory_space<hbm>>) dst(%dma_wait3A_551 : memref<128x128xf32, #tpu.memory_space<vmem>>)
      %sub3A_558 = arith.constant 1 : i32
      %sub3A_559 = arith.subi %add3A_525, %sub3A_558 : i32
      %mul3A_560 = arith.constant 256 : i32
      %mul3A_561 = arith.muli %sub3A_559, %mul3A_560 : i32
      %add3A_562 = arith.addi %mul3A_4, %mul3A_561 : i32
      %dma_start3A_563 = arith.constant 1 : i32
      %dma_start3A_564 = arith.constant 0 : i32
      %dma_start3A_565 = arith.constant 0 : i32
      %dma_start3A_566 = tpu.memref_slice %arg6[%dma_start3A_563, %dma_start3A_564, %dma_start3A_565] : memref<3x256x128xf32, #tpu.memory_space<vmem>> -> memref<1x256x128xf32, #tpu.memory_space<vmem>>
      %dma_start3A_567 = tpu.memref_squeeze %dma_start3A_566 : memref<1x256x128xf32, #tpu.memory_space<vmem>> -> memref<256x128xf32, #tpu.memory_space<vmem>>
      %dma_start3A_568 = arith.constant 0 : i32
      %dma_start3A_569 = tpu.memref_slice %arg4[%add3A_562, %dma_start3A_568] : memref<819200x128xf32, #tpu.memory_space<hbm>> -> memref<256x128xf32, #tpu.memory_space<hbm>>
      %dma_start3A_570 = arith.constant 0 : i32
      %dma_start3A_571 = tpu.memref_slice %arg4[%add3A_562, %dma_start3A_570] : memref<819200x128xf32, #tpu.memory_space<hbm>> -> memref<256x128xf32, #tpu.memory_space<hbm>>
      %dma_start3A_572 = arith.constant 0 : i32
      %dma_start3A_573 = arith.constant 0 : i32
      %dma_start3A_574 = tpu.memref_slice %arg6[%dma_start3A_563, %dma_start3A_572, %dma_start3A_573] : memref<3x256x128xf32, #tpu.memory_space<vmem>> -> memref<1x256x128xf32, #tpu.memory_space<vmem>>
      %dma_start3A_575 = tpu.memref_squeeze %dma_start3A_574 : memref<1x256x128xf32, #tpu.memory_space<vmem>> -> memref<256x128xf32, #tpu.memory_space<vmem>>
      tpu.enqueue_dma source(%dma_start3A_575 : memref<256x128xf32, #tpu.memory_space<vmem>>) target(%dma_start3A_571 : memref<256x128xf32, #tpu.memory_space<hbm>>) target_semaphore(%arg11 : memref<!tpu.dma_semaphore, #tpu.memory_space<semaphore_mem>>)
      %sub3A_576 = arith.constant 3 : i32
      %sub3A_577 = arith.subi %add3A_525, %sub3A_576 : i32
      %mul3A_578 = arith.constant 256 : i32
      %mul3A_579 = arith.muli %sub3A_577, %mul3A_578 : i32
      %add3A_580 = arith.addi %mul3A_4, %mul3A_579 : i32
      %dma_wait3A_581 = arith.constant 2 : i32
      %dma_wait3A_582 = arith.constant 0 : i32
      %dma_wait3A_583 = arith.constant 0 : i32
      %dma_wait3A_584 = tpu.memref_slice %arg6[%dma_wait3A_581, %dma_wait3A_582, %dma_wait3A_583] : memref<3x256x128xf32, #tpu.memory_space<vmem>> -> memref<1x256x128xf32, #tpu.memory_space<vmem>>
      %dma_wait3A_585 = tpu.memref_squeeze %dma_wait3A_584 : memref<1x256x128xf32, #tpu.memory_space<vmem>> -> memref<256x128xf32, #tpu.memory_space<vmem>>
      %dma_wait3A_586 = arith.constant 0 : i32
      %dma_wait3A_587 = tpu.memref_slice %arg4[%add3A_580, %dma_wait3A_586] : memref<819200x128xf32, #tpu.memory_space<hbm>> -> memref<256x128xf32, #tpu.memory_space<hbm>>
      %dma_wait3A_588 = arith.constant 0 : i32
      %dma_wait3A_589 = tpu.memref_slice %arg4[%add3A_580, %dma_wait3A_588] : memref<819200x128xf32, #tpu.memory_space<hbm>> -> memref<256x128xf32, #tpu.memory_space<hbm>>
      %dma_wait3A_590 = arith.constant 0 : i32
      %dma_wait3A_591 = arith.constant 0 : i32
      %dma_wait3A_592 = tpu.memref_slice %arg6[%dma_wait3A_581, %dma_wait3A_590, %dma_wait3A_591] : memref<3x256x128xf32, #tpu.memory_space<vmem>> -> memref<1x256x128xf32, #tpu.memory_space<vmem>>
      %dma_wait3A_593 = tpu.memref_squeeze %dma_wait3A_592 : memref<1x256x128xf32, #tpu.memory_space<vmem>> -> memref<256x128xf32, #tpu.memory_space<vmem>>
      tpu.wait_dma2 semaphore(%arg12 : memref<!tpu.dma_semaphore, #tpu.memory_space<semaphore_mem>>) src(%dma_wait3A_593 : memref<256x128xf32, #tpu.memory_space<vmem>>) dst(%dma_wait3A_589 : memref<256x128xf32, #tpu.memory_space<hbm>>)
      %mul3A_594 = arith.constant 2 : i32
      %mul3A_595 = arith.muli %add3A_525, %mul3A_594 : i32
      %add3A_596 = arith.constant 0 : i32
      %add3A_597 = arith.addi %mul3A_595, %add3A_596 : i32
      %dma_start3A_598 = arith.constant 2 : i32
      %dma_start3A_599 = arith.constant 0 : i32
      %dma_start3A_600 = arith.constant 0 : i32
      %dma_start3A_601 = tpu.memref_slice %arg6[%dma_start3A_598, %dma_start3A_599, %dma_start3A_600] : memref<3x256x128xf32, #tpu.memory_space<vmem>> -> memref<1x128x128xf32, #tpu.memory_space<vmem>>
      %dma_start3A_602 = tpu.memref_squeeze %dma_start3A_601 : memref<1x128x128xf32, #tpu.memory_space<vmem>> -> memref<128x128xf32, #tpu.memory_space<vmem>>
      %dma_start3A_603 = arith.constant 0 : i32
      %dma_start3A_604 = tpu.memref_slice %arg5[%add3A_597, %dma_start3A_603] : memref<200x128xi32, #tpu.memory_space<vmem>> -> memref<1x128xi32, #tpu.memory_space<vmem>>
      %dma_start3A_605 = tpu.memref_squeeze %dma_start3A_604 : memref<1x128xi32, #tpu.memory_space<vmem>> -> memref<128xi32, #tpu.memory_space<vmem>>
      %dma_start3A_606 = arith.constant 0 : i32
      %dma_start3A_607 = arith.constant 0 : i32
      %dma_start3A_608 = tpu.memref_slice %arg3[%dma_start3A_606, %dma_start3A_607] : memref<100000x128xf32, #tpu.memory_space<hbm>> -> memref<100000x128xf32, #tpu.memory_space<hbm>>
      tpu.enqueue_indirect_dma source(%dma_start3A_608 : memref<100000x128xf32, #tpu.memory_space<hbm>>) target(%dma_start3A_602 : memref<128x128xf32, #tpu.memory_space<vmem>>) offsets(%dma_start3A_605 : memref<128xi32, #tpu.memory_space<vmem>>) semaphore(%arg9 : memref<!tpu.dma_semaphore, #tpu.memory_space<semaphore_mem>>)
      %mul3A_609 = arith.constant 2 : i32
      %mul3A_610 = arith.muli %add3A_525, %mul3A_609 : i32
      %add3A_611 = arith.constant 1 : i32
      %add3A_612 = arith.addi %mul3A_610, %add3A_611 : i32
      %dma_start3A_613 = arith.constant 2 : i32
      %dma_start3A_614 = arith.constant 128 : i32
      %dma_start3A_615 = arith.constant 0 : i32
      %dma_start3A_616 = tpu.memref_slice %arg6[%dma_start3A_613, %dma_start3A_614, %dma_start3A_615] : memref<3x256x128xf32, #tpu.memory_space<vmem>> -> memref<1x128x128xf32, #tpu.memory_space<vmem>>
      %dma_start3A_617 = tpu.memref_squeeze %dma_start3A_616 : memref<1x128x128xf32, #tpu.memory_space<vmem>> -> memref<128x128xf32, #tpu.memory_space<vmem>>
      %dma_start3A_618 = arith.constant 0 : i32
      %dma_start3A_619 = tpu.memref_slice %arg5[%add3A_612, %dma_start3A_618] : memref<200x128xi32, #tpu.memory_space<vmem>> -> memref<1x128xi32, #tpu.memory_space<vmem>>
      %dma_start3A_620 = tpu.memref_squeeze %dma_start3A_619 : memref<1x128xi32, #tpu.memory_space<vmem>> -> memref<128xi32, #tpu.memory_space<vmem>>
      %dma_start3A_621 = arith.constant 0 : i32
      %dma_start3A_622 = arith.constant 0 : i32
      %dma_start3A_623 = tpu.memref_slice %arg3[%dma_start3A_621, %dma_start3A_622] : memref<100000x128xf32, #tpu.memory_space<hbm>> -> memref<100000x128xf32, #tpu.memory_space<hbm>>
      tpu.enqueue_indirect_dma source(%dma_start3A_623 : memref<100000x128xf32, #tpu.memory_space<hbm>>) target(%dma_start3A_617 : memref<128x128xf32, #tpu.memory_space<vmem>>) offsets(%dma_start3A_620 : memref<128xi32, #tpu.memory_space<vmem>>) semaphore(%arg9 : memref<!tpu.dma_semaphore, #tpu.memory_space<semaphore_mem>>)
    }
    %scan3A_157 = arith.constant 32 : i32
    %dma_wait3A_158 = arith.constant 196 : i32
    %dma_wait3A_159 = arith.constant 2 : i32
    %dma_wait3A_160 = arith.constant 0 : i32
    %dma_wait3A_161 = arith.constant 0 : i32
    %dma_wait3A_162 = tpu.memref_slice %arg6[%dma_wait3A_159, %dma_wait3A_160, %dma_wait3A_161] : memref<3x256x128xf32, #tpu.memory_space<vmem>> -> memref<1x128x128xf32, #tpu.memory_space<vmem>>
    %dma_wait3A_163 = tpu.memref_squeeze %dma_wait3A_162 : memref<1x128x128xf32, #tpu.memory_space<vmem>> -> memref<128x128xf32, #tpu.memory_space<vmem>>
    %dma_wait3A_164 = arith.constant 0 : i32
    %dma_wait3A_165 = tpu.memref_slice %arg5[%dma_wait3A_158, %dma_wait3A_164] : memref<200x128xi32, #tpu.memory_space<vmem>> -> memref<1x128xi32, #tpu.memory_space<vmem>>
    %dma_wait3A_166 = tpu.memref_squeeze %dma_wait3A_165 : memref<1x128xi32, #tpu.memory_space<vmem>> -> memref<128xi32, #tpu.memory_space<vmem>>
    %dma_wait3A_167 = arith.constant 0 : i32
    %dma_wait3A_168 = arith.constant 0 : i32
    %dma_wait3A_169 = tpu.memref_slice %arg3[%dma_wait3A_167, %dma_wait3A_168] : memref<100000x128xf32, #tpu.memory_space<hbm>> -> memref<100000x128xf32, #tpu.memory_space<hbm>>
    tpu.wait_indirect_dma semaphore(%arg9 : memref<!tpu.dma_semaphore, #tpu.memory_space<semaphore_mem>>) src(%dma_wait3A_169 : memref<100000x128xf32, #tpu.memory_space<hbm>>) dst(%dma_wait3A_163 : memref<128x128xf32, #tpu.memory_space<vmem>>)
    %dma_wait3A_170 = arith.constant 197 : i32
    %dma_wait3A_171 = arith.constant 2 : i32
    %dma_wait3A_172 = arith.constant 128 : i32
    %dma_wait3A_173 = arith.constant 0 : i32
    %dma_wait3A_174 = tpu.memref_slice %arg6[%dma_wait3A_171, %dma_wait3A_172, %dma_wait3A_173] : memref<3x256x128xf32, #tpu.memory_space<vmem>> -> memref<1x128x128xf32, #tpu.memory_space<vmem>>
    %dma_wait3A_175 = tpu.memref_squeeze %dma_wait3A_174 : memref<1x128x128xf32, #tpu.memory_space<vmem>> -> memref<128x128xf32, #tpu.memory_space<vmem>>
    %dma_wait3A_176 = arith.constant 0 : i32
    %dma_wait3A_177 = tpu.memref_slice %arg5[%dma_wait3A_170, %dma_wait3A_176] : memref<200x128xi32, #tpu.memory_space<vmem>> -> memref<1x128xi32, #tpu.memory_space<vmem>>
    %dma_wait3A_178 = tpu.memref_squeeze %dma_wait3A_177 : memref<1x128xi32, #tpu.memory_space<vmem>> -> memref<128xi32, #tpu.memory_space<vmem>>
    %dma_wait3A_179 = arith.constant 0 : i32
    %dma_wait3A_180 = arith.constant 0 : i32
    %dma_wait3A_181 = tpu.memref_slice %arg3[%dma_wait3A_179, %dma_wait3A_180] : memref<100000x128xf32, #tpu.memory_space<hbm>> -> memref<100000x128xf32, #tpu.memory_space<hbm>>
    tpu.wait_indirect_dma semaphore(%arg9 : memref<!tpu.dma_semaphore, #tpu.memory_space<semaphore_mem>>) src(%dma_wait3A_181 : memref<100000x128xf32, #tpu.memory_space<hbm>>) dst(%dma_wait3A_175 : memref<128x128xf32, #tpu.memory_space<vmem>>)
    %add3A_182 = arith.constant 25088 : i32
    %add3A_183 = arith.addi %mul3A_4, %add3A_182 : i32
    %dma_start3A_184 = arith.constant 2 : i32
    %dma_start3A_185 = arith.constant 0 : i32
    %dma_start3A_186 = arith.constant 0 : i32
    %dma_start3A_187 = tpu.memref_slice %arg6[%dma_start3A_184, %dma_start3A_185, %dma_start3A_186] : memref<3x256x128xf32, #tpu.memory_space<vmem>> -> memref<1x256x128xf32, #tpu.memory_space<vmem>>
    %dma_start3A_188 = tpu.memref_squeeze %dma_start3A_187 : memref<1x256x128xf32, #tpu.memory_space<vmem>> -> memref<256x128xf32, #tpu.memory_space<vmem>>
    %dma_start3A_189 = arith.constant 0 : i32
    %dma_start3A_190 = tpu.memref_slice %arg4[%add3A_183, %dma_start3A_189] : memref<819200x128xf32, #tpu.memory_space<hbm>> -> memref<256x128xf32, #tpu.memory_space<hbm>>
    %dma_start3A_191 = arith.constant 0 : i32
    %dma_start3A_192 = tpu.memref_slice %arg4[%add3A_183, %dma_start3A_191] : memref<819200x128xf32, #tpu.memory_space<hbm>> -> memref<256x128xf32, #tpu.memory_space<hbm>>
    %dma_start3A_193 = arith.constant 0 : i32
    %dma_start3A_194 = arith.constant 0 : i32
    %dma_start3A_195 = tpu.memref_slice %arg6[%dma_start3A_184, %dma_start3A_193, %dma_start3A_194] : memref<3x256x128xf32, #tpu.memory_space<vmem>> -> memref<1x256x128xf32, #tpu.memory_space<vmem>>
    %dma_start3A_196 = tpu.memref_squeeze %dma_start3A_195 : memref<1x256x128xf32, #tpu.memory_space<vmem>> -> memref<256x128xf32, #tpu.memory_space<vmem>>
    tpu.enqueue_dma source(%dma_start3A_196 : memref<256x128xf32, #tpu.memory_space<vmem>>) target(%dma_start3A_192 : memref<256x128xf32, #tpu.memory_space<hbm>>) target_semaphore(%arg12 : memref<!tpu.dma_semaphore, #tpu.memory_space<semaphore_mem>>)
    %add3A_197 = arith.constant 24576 : i32
    %add3A_198 = arith.addi %mul3A_4, %add3A_197 : i32
    %dma_wait3A_199 = arith.constant 0 : i32
    %dma_wait3A_200 = arith.constant 0 : i32
    %dma_wait3A_201 = arith.constant 0 : i32
    %dma_wait3A_202 = tpu.memref_slice %arg6[%dma_wait3A_199, %dma_wait3A_200, %dma_wait3A_201] : memref<3x256x128xf32, #tpu.memory_space<vmem>> -> memref<1x256x128xf32, #tpu.memory_space<vmem>>
    %dma_wait3A_203 = tpu.memref_squeeze %dma_wait3A_202 : memref<1x256x128xf32, #tpu.memory_space<vmem>> -> memref<256x128xf32, #tpu.memory_space<vmem>>
    %dma_wait3A_204 = arith.constant 0 : i32
    %dma_wait3A_205 = tpu.memref_slice %arg4[%add3A_198, %dma_wait3A_204] : memref<819200x128xf32, #tpu.memory_space<hbm>> -> memref<256x128xf32, #tpu.memory_space<hbm>>
    %dma_wait3A_206 = arith.constant 0 : i32
    %dma_wait3A_207 = tpu.memref_slice %arg4[%add3A_198, %dma_wait3A_206] : memref<819200x128xf32, #tpu.memory_space<hbm>> -> memref<256x128xf32, #tpu.memory_space<hbm>>
    %dma_wait3A_208 = arith.constant 0 : i32
    %dma_wait3A_209 = arith.constant 0 : i32
    %dma_wait3A_210 = tpu.memref_slice %arg6[%dma_wait3A_199, %dma_wait3A_208, %dma_wait3A_209] : memref<3x256x128xf32, #tpu.memory_space<vmem>> -> memref<1x256x128xf32, #tpu.memory_space<vmem>>
    %dma_wait3A_211 = tpu.memref_squeeze %dma_wait3A_210 : memref<1x256x128xf32, #tpu.memory_space<vmem>> -> memref<256x128xf32, #tpu.memory_space<vmem>>
    tpu.wait_dma2 semaphore(%arg10 : memref<!tpu.dma_semaphore, #tpu.memory_space<semaphore_mem>>) src(%dma_wait3A_211 : memref<256x128xf32, #tpu.memory_space<vmem>>) dst(%dma_wait3A_207 : memref<256x128xf32, #tpu.memory_space<hbm>>)
    %dma_start3A_212 = arith.constant 198 : i32
    %dma_start3A_213 = arith.constant 0 : i32
    %dma_start3A_214 = arith.constant 0 : i32
    %dma_start3A_215 = arith.constant 0 : i32
    %dma_start3A_216 = tpu.memref_slice %arg6[%dma_start3A_213, %dma_start3A_214, %dma_start3A_215] : memref<3x256x128xf32, #tpu.memory_space<vmem>> -> memref<1x128x128xf32, #tpu.memory_space<vmem>>
    %dma_start3A_217 = tpu.memref_squeeze %dma_start3A_216 : memref<1x128x128xf32, #tpu.memory_space<vmem>> -> memref<128x128xf32, #tpu.memory_space<vmem>>
    %dma_start3A_218 = arith.constant 0 : i32
    %dma_start3A_219 = tpu.memref_slice %arg5[%dma_start3A_212, %dma_start3A_218] : memref<200x128xi32, #tpu.memory_space<vmem>> -> memref<1x128xi32, #tpu.memory_space<vmem>>
    %dma_start3A_220 = tpu.memref_squeeze %dma_start3A_219 : memref<1x128xi32, #tpu.memory_space<vmem>> -> memref<128xi32, #tpu.memory_space<vmem>>
    %dma_start3A_221 = arith.constant 0 : i32
    %dma_start3A_222 = arith.constant 0 : i32
    %dma_start3A_223 = tpu.memref_slice %arg3[%dma_start3A_221, %dma_start3A_222] : memref<100000x128xf32, #tpu.memory_space<hbm>> -> memref<100000x128xf32, #tpu.memory_space<hbm>>
    tpu.enqueue_indirect_dma source(%dma_start3A_223 : memref<100000x128xf32, #tpu.memory_space<hbm>>) target(%dma_start3A_217 : memref<128x128xf32, #tpu.memory_space<vmem>>) offsets(%dma_start3A_220 : memref<128xi32, #tpu.memory_space<vmem>>) semaphore(%arg7 : memref<!tpu.dma_semaphore, #tpu.memory_space<semaphore_mem>>)
    %dma_start3A_224 = arith.constant 199 : i32
    %dma_start3A_225 = arith.constant 0 : i32
    %dma_start3A_226 = arith.constant 128 : i32
    %dma_start3A_227 = arith.constant 0 : i32
    %dma_start3A_228 = tpu.memref_slice %arg6[%dma_start3A_225, %dma_start3A_226, %dma_start3A_227] : memref<3x256x128xf32, #tpu.memory_space<vmem>> -> memref<1x128x128xf32, #tpu.memory_space<vmem>>
    %dma_start3A_229 = tpu.memref_squeeze %dma_start3A_228 : memref<1x128x128xf32, #tpu.memory_space<vmem>> -> memref<128x128xf32, #tpu.memory_space<vmem>>
    %dma_start3A_230 = arith.constant 0 : i32
    %dma_start3A_231 = tpu.memref_slice %arg5[%dma_start3A_224, %dma_start3A_230] : memref<200x128xi32, #tpu.memory_space<vmem>> -> memref<1x128xi32, #tpu.memory_space<vmem>>
    %dma_start3A_232 = tpu.memref_squeeze %dma_start3A_231 : memref<1x128xi32, #tpu.memory_space<vmem>> -> memref<128xi32, #tpu.memory_space<vmem>>
    %dma_start3A_233 = arith.constant 0 : i32
    %dma_start3A_234 = arith.constant 0 : i32
    %dma_start3A_235 = tpu.memref_slice %arg3[%dma_start3A_233, %dma_start3A_234] : memref<100000x128xf32, #tpu.memory_space<hbm>> -> memref<100000x128xf32, #tpu.memory_space<hbm>>
    tpu.enqueue_indirect_dma source(%dma_start3A_235 : memref<100000x128xf32, #tpu.memory_space<hbm>>) target(%dma_start3A_229 : memref<128x128xf32, #tpu.memory_space<vmem>>) offsets(%dma_start3A_232 : memref<128xi32, #tpu.memory_space<vmem>>) semaphore(%arg7 : memref<!tpu.dma_semaphore, #tpu.memory_space<semaphore_mem>>)
    %dma_wait3A_236 = arith.constant 198 : i32
    %dma_wait3A_237 = arith.constant 0 : i32
    %dma_wait3A_238 = arith.constant 0 : i32
    %dma_wait3A_239 = arith.constant 0 : i32
    %dma_wait3A_240 = tpu.memref_slice %arg6[%dma_wait3A_237, %dma_wait3A_238, %dma_wait3A_239] : memref<3x256x128xf32, #tpu.memory_space<vmem>> -> memref<1x128x128xf32, #tpu.memory_space<vmem>>
    %dma_wait3A_241 = tpu.memref_squeeze %dma_wait3A_240 : memref<1x128x128xf32, #tpu.memory_space<vmem>> -> memref<128x128xf32, #tpu.memory_space<vmem>>
    %dma_wait3A_242 = arith.constant 0 : i32
    %dma_wait3A_243 = tpu.memref_slice %arg5[%dma_wait3A_236, %dma_wait3A_242] : memref<200x128xi32, #tpu.memory_space<vmem>> -> memref<1x128xi32, #tpu.memory_space<vmem>>
    %dma_wait3A_244 = tpu.memref_squeeze %dma_wait3A_243 : memref<1x128xi32, #tpu.memory_space<vmem>> -> memref<128xi32, #tpu.memory_space<vmem>>
    %dma_wait3A_245 = arith.constant 0 : i32
    %dma_wait3A_246 = arith.constant 0 : i32
    %dma_wait3A_247 = tpu.memref_slice %arg3[%dma_wait3A_245, %dma_wait3A_246] : memref<100000x128xf32, #tpu.memory_space<hbm>> -> memref<100000x128xf32, #tpu.memory_space<hbm>>
    tpu.wait_indirect_dma semaphore(%arg7 : memref<!tpu.dma_semaphore, #tpu.memory_space<semaphore_mem>>) src(%dma_wait3A_247 : memref<100000x128xf32, #tpu.memory_space<hbm>>) dst(%dma_wait3A_241 : memref<128x128xf32, #tpu.memory_space<vmem>>)
    %dma_wait3A_248 = arith.constant 199 : i32
    %dma_wait3A_249 = arith.constant 0 : i32
    %dma_wait3A_250 = arith.constant 128 : i32
    %dma_wait3A_251 = arith.constant 0 : i32
    %dma_wait3A_252 = tpu.memref_slice %arg6[%dma_wait3A_249, %dma_wait3A_250, %dma_wait3A_251] : memref<3x256x128xf32, #tpu.memory_space<vmem>> -> memref<1x128x128xf32, #tpu.memory_space<vmem>>
    %dma_wait3A_253 = tpu.memref_squeeze %dma_wait3A_252 : memref<1x128x128xf32, #tpu.memory_space<vmem>> -> memref<128x128xf32, #tpu.memory_space<vmem>>
    %dma_wait3A_254 = arith.constant 0 : i32
    %dma_wait3A_255 = tpu.memref_slice %arg5[%dma_wait3A_248, %dma_wait3A_254] : memref<200x128xi32, #tpu.memory_space<vmem>> -> memref<1x128xi32, #tpu.memory_space<vmem>>
    %dma_wait3A_256 = tpu.memref_squeeze %dma_wait3A_255 : memref<1x128xi32, #tpu.memory_space<vmem>> -> memref<128xi32, #tpu.memory_space<vmem>>
    %dma_wait3A_257 = arith.constant 0 : i32
    %dma_wait3A_258 = arith.constant 0 : i32
    %dma_wait3A_259 = tpu.memref_slice %arg3[%dma_wait3A_257, %dma_wait3A_258] : memref<100000x128xf32, #tpu.memory_space<hbm>> -> memref<100000x128xf32, #tpu.memory_space<hbm>>
    tpu.wait_indirect_dma semaphore(%arg7 : memref<!tpu.dma_semaphore, #tpu.memory_space<semaphore_mem>>) src(%dma_wait3A_259 : memref<100000x128xf32, #tpu.memory_space<hbm>>) dst(%dma_wait3A_253 : memref<128x128xf32, #tpu.memory_space<vmem>>)
    %add3A_260 = arith.constant 25344 : i32
    %add3A_261 = arith.addi %mul3A_4, %add3A_260 : i32
    %dma_start3A_262 = arith.constant 0 : i32
    %dma_start3A_263 = arith.constant 0 : i32
    %dma_start3A_264 = arith.constant 0 : i32
    %dma_start3A_265 = tpu.memref_slice %arg6[%dma_start3A_262, %dma_start3A_263, %dma_start3A_264] : memref<3x256x128xf32, #tpu.memory_space<vmem>> -> memref<1x256x128xf32, #tpu.memory_space<vmem>>
    %dma_start3A_266 = tpu.memref_squeeze %dma_start3A_265 : memref<1x256x128xf32, #tpu.memory_space<vmem>> -> memref<256x128xf32, #tpu.memory_space<vmem>>
    %dma_start3A_267 = arith.constant 0 : i32
    %dma_start3A_268 = tpu.memref_slice %arg4[%add3A_261, %dma_start3A_267] : memref<819200x128xf32, #tpu.memory_space<hbm>> -> memref<256x128xf32, #tpu.memory_space<hbm>>
    %dma_start3A_269 = arith.constant 0 : i32
    %dma_start3A_270 = tpu.memref_slice %arg4[%add3A_261, %dma_start3A_269] : memref<819200x128xf32, #tpu.memory_space<hbm>> -> memref<256x128xf32, #tpu.memory_space<hbm>>
    %dma_start3A_271 = arith.constant 0 : i32
    %dma_start3A_272 = arith.constant 0 : i32
    %dma_start3A_273 = tpu.memref_slice %arg6[%dma_start3A_262, %dma_start3A_271, %dma_start3A_272] : memref<3x256x128xf32, #tpu.memory_space<vmem>> -> memref<1x256x128xf32, #tpu.memory_space<vmem>>
    %dma_start3A_274 = tpu.memref_squeeze %dma_start3A_273 : memref<1x256x128xf32, #tpu.memory_space<vmem>> -> memref<256x128xf32, #tpu.memory_space<vmem>>
    tpu.enqueue_dma source(%dma_start3A_274 : memref<256x128xf32, #tpu.memory_space<vmem>>) target(%dma_start3A_270 : memref<256x128xf32, #tpu.memory_space<hbm>>) target_semaphore(%arg10 : memref<!tpu.dma_semaphore, #tpu.memory_space<semaphore_mem>>)
    %add3A_275 = arith.constant 24832 : i32
    %add3A_276 = arith.addi %mul3A_4, %add3A_275 : i32
    %dma_wait3A_277 = arith.constant 1 : i32
    %dma_wait3A_278 = arith.constant 0 : i32
    %dma_wait3A_279 = arith.constant 0 : i32
    %dma_wait3A_280 = tpu.memref_slice %arg6[%dma_wait3A_277, %dma_wait3A_278, %dma_wait3A_279] : memref<3x256x128xf32, #tpu.memory_space<vmem>> -> memref<1x256x128xf32, #tpu.memory_space<vmem>>
    %dma_wait3A_281 = tpu.memref_squeeze %dma_wait3A_280 : memref<1x256x128xf32, #tpu.memory_space<vmem>> -> memref<256x128xf32, #tpu.memory_space<vmem>>
    %dma_wait3A_282 = arith.constant 0 : i32
    %dma_wait3A_283 = tpu.memref_slice %arg4[%add3A_276, %dma_wait3A_282] : memref<819200x128xf32, #tpu.memory_space<hbm>> -> memref<256x128xf32, #tpu.memory_space<hbm>>
    %dma_wait3A_284 = arith.constant 0 : i32
    %dma_wait3A_285 = tpu.memref_slice %arg4[%add3A_276, %dma_wait3A_284] : memref<819200x128xf32, #tpu.memory_space<hbm>> -> memref<256x128xf32, #tpu.memory_space<hbm>>
    %dma_wait3A_286 = arith.constant 0 : i32
    %dma_wait3A_287 = arith.constant 0 : i32
    %dma_wait3A_288 = tpu.memref_slice %arg6[%dma_wait3A_277, %dma_wait3A_286, %dma_wait3A_287] : memref<3x256x128xf32, #tpu.memory_space<vmem>> -> memref<1x256x128xf32, #tpu.memory_space<vmem>>
    %dma_wait3A_289 = tpu.memref_squeeze %dma_wait3A_288 : memref<1x256x128xf32, #tpu.memory_space<vmem>> -> memref<256x128xf32, #tpu.memory_space<vmem>>
    tpu.wait_dma2 semaphore(%arg11 : memref<!tpu.dma_semaphore, #tpu.memory_space<semaphore_mem>>) src(%dma_wait3A_289 : memref<256x128xf32, #tpu.memory_space<vmem>>) dst(%dma_wait3A_285 : memref<256x128xf32, #tpu.memory_space<hbm>>)
    %add3A_290 = arith.constant 25088 : i32
    %add3A_291 = arith.addi %mul3A_4, %add3A_290 : i32
    %dma_wait3A_292 = arith.constant 2 : i32
    %dma_wait3A_293 = arith.constant 0 : i32
    %dma_wait3A_294 = arith.constant 0 : i32
    %dma_wait3A_295 = tpu.memref_slice %arg6[%dma_wait3A_292, %dma_wait3A_293, %dma_wait3A_294] : memref<3x256x128xf32, #tpu.memory_space<vmem>> -> memref<1x256x128xf32, #tpu.memory_space<vmem>>
    %dma_wait3A_296 = tpu.memref_squeeze %dma_wait3A_295 : memref<1x256x128xf32, #tpu.memory_space<vmem>> -> memref<256x128xf32, #tpu.memory_space<vmem>>
    %dma_wait3A_297 = arith.constant 0 : i32
    %dma_wait3A_298 = tpu.memref_slice %arg4[%add3A_291, %dma_wait3A_297] : memref<819200x128xf32, #tpu.memory_space<hbm>> -> memref<256x128xf32, #tpu.memory_space<hbm>>
    %dma_wait3A_299 = arith.constant 0 : i32
    %dma_wait3A_300 = tpu.memref_slice %arg4[%add3A_291, %dma_wait3A_299] : memref<819200x128xf32, #tpu.memory_space<hbm>> -> memref<256x128xf32, #tpu.memory_space<hbm>>
    %dma_wait3A_301 = arith.constant 0 : i32
    %dma_wait3A_302 = arith.constant 0 : i32
    %dma_wait3A_303 = tpu.memref_slice %arg6[%dma_wait3A_292, %dma_wait3A_301, %dma_wait3A_302] : memref<3x256x128xf32, #tpu.memory_space<vmem>> -> memref<1x256x128xf32, #tpu.memory_space<vmem>>
    %dma_wait3A_304 = tpu.memref_squeeze %dma_wait3A_303 : memref<1x256x128xf32, #tpu.memory_space<vmem>> -> memref<256x128xf32, #tpu.memory_space<vmem>>
    tpu.wait_dma2 semaphore(%arg12 : memref<!tpu.dma_semaphore, #tpu.memory_space<semaphore_mem>>) src(%dma_wait3A_304 : memref<256x128xf32, #tpu.memory_space<vmem>>) dst(%dma_wait3A_300 : memref<256x128xf32, #tpu.memory_space<hbm>>)
    %add3A_305 = arith.constant 25344 : i32
    %add3A_306 = arith.addi %mul3A_4, %add3A_305 : i32
    %dma_wait3A_307 = arith.constant 0 : i32
    %dma_wait3A_308 = arith.constant 0 : i32
    %dma_wait3A_309 = arith.constant 0 : i32
    %dma_wait3A_310 = tpu.memref_slice %arg6[%dma_wait3A_307, %dma_wait3A_308, %dma_wait3A_309] : memref<3x256x128xf32, #tpu.memory_space<vmem>> -> memref<1x256x128xf32, #tpu.memory_space<vmem>>
    %dma_wait3A_311 = tpu.memref_squeeze %dma_wait3A_310 : memref<1x256x128xf32, #tpu.memory_space<vmem>> -> memref<256x128xf32, #tpu.memory_space<vmem>>
    %dma_wait3A_312 = arith.constant 0 : i32
    %dma_wait3A_313 = tpu.memref_slice %arg4[%add3A_306, %dma_wait3A_312] : memref<819200x128xf32, #tpu.memory_space<hbm>> -> memref<256x128xf32, #tpu.memory_space<hbm>>
    %dma_wait3A_314 = arith.constant 0 : i32
    %dma_wait3A_315 = tpu.memref_slice %arg4[%add3A_306, %dma_wait3A_314] : memref<819200x128xf32, #tpu.memory_space<hbm>> -> memref<256x128xf32, #tpu.memory_space<hbm>>
    %dma_wait3A_316 = arith.constant 0 : i32
    %dma_wait3A_317 = arith.constant 0 : i32
    %dma_wait3A_318 = tpu.memref_slice %arg6[%dma_wait3A_307, %dma_wait3A_316, %dma_wait3A_317] : memref<3x256x128xf32, #tpu.memory_space<vmem>> -> memref<1x256x128xf32, #tpu.memory_space<vmem>>
    %dma_wait3A_319 = tpu.memref_squeeze %dma_wait3A_318 : memref<1x256x128xf32, #tpu.memory_space<vmem>> -> memref<256x128xf32, #tpu.memory_space<vmem>>
    tpu.wait_dma2 semaphore(%arg10 : memref<!tpu.dma_semaphore, #tpu.memory_space<semaphore_mem>>) src(%dma_wait3A_319 : memref<256x128xf32, #tpu.memory_space<vmem>>) dst(%dma_wait3A_315 : memref<256x128xf32, #tpu.memory_space<hbm>>)
    return
  }
}

</mosaic_0001>

<sc_bundles>
// kernel: kernel.3.cloned.1.call-start
scs
__scs_entry_jumppad:
0x0: {  	(pc) =	sbr.rel $0x88, $3  }
0x1: {  	(tag) =	ssettag $0x0;
	lr =	simm.s32 $0x1  }
0x2: {  	[smem:$0x3F9F] =	sst lr;
	_ =	strace $0xD0000000  }
0x3: {  	_ = 	snop  }
0x4: {  	_ = 	snop  }
0x5: {  	_ = 	snop  }
0x6: {  	_ = 	snop  }
0x7: {  	_ = 	snop  }
__scs_overlays_trampoline_lowered:
0x8: {  	[smem:$0x3FAE] =	sst s0  }
0x9: {  	[smem:$0x3FAF] =	sst s1  }
0xa: {  	[smem:$0x3FB0] =	sst s2  }
0xb: {  	[smem:$0x3FB1] =	sst s3  }
0xc: {  	[smem:$0x3FB2] =	sst s4  }
0xd: {  	[smem:$0x3FB3] =	sst s5  }
0xe: {  	[smem:$0x3FB4] =	sst s6  }
0xf: {  	[smem:$0x3FB5] =	sst s7  }
0x10: {  	[smem:$0x3FB6] =	sst s8  }
0x11: {  	[smem:$0x3FB7] =	sst s9;
	s0 =	simm.s32 @!p0 $0x0  }
0x12: {  	s1 =	sld [smem:$0x3F9D];
	s0 =	simm.s32 @p0 $0x1  }
0x13: {  	[smem:$0x3FB8] =	sst s0;
	s0 =	simm.s32 @!p1 $0x0  }
0x14: {  	s2 =	sld [smem:$0x3F9C];
	s0 =	simm.s32 @p1 $0x1  }
0x15: {  	[smem:$0x3FB9] =	sst s0;
	s0 =	simm.s32 @!p2 $0x0  }
0x16: {  	s3 =	sld [smem:$0x3FDB];
	s0 =	simm.s32 @p2 $0x1  }
0x17: {  	s4 =	simm.s32 $0x1BF5;
	[smem:$0x3FBB] =	sst s0  }
0x18: {  	s0 =	sld [smem:$0x3F9E];
	_ =	swait.ge [sflag:s4], $0x0  }
0x19: {  	s7 =	sld [smem:$0x3F9F]  }
0x1a: {  	s8 =	sadd.s32 $0xFFFFE003, lr  }
0x1b: {  	s9 =	sadd.s32 $0xFFFFFEF7, lr;
	s5 =	simm.s32 $0xFFFFFFFF;
	p2 =	slt.u32 s8, $0xFFFFF086  }
0x1c: {  	p1 =	slt.u32 s9, $0xF7A;
	s5 =	simm.s32 @!p2 $0x0  }
0x1d: {  	s5 =	simm.s32 @p1 $0x1;
	p0 =	seq.s32 s7, s2  }
0x1e: {  	s7 =	smul.u32 @!p0 $0xF7A, s2;
	p2 =	seq.s32 @!p0 s5, $0x0  }
0x1f: {  	s9 =	smul.u32 $0xF7A, s1;
	s8 =	simm.s32 @!p0 $0x1BF5;
	p2 =	por !p2, p0  }
0x20: {  	[sflag:s8] =	ssyncset.s32 @!p0 $0xFFFFF086;
	s6 =	sadd.s32 @!p0 s3, s7;
	s7 =	simm.s32 @!p0 $0x108  }
0x21: {  	s3 =	sadd.s32 s3, s9;
	s6 =	sadd.s32 @!p0 $0x88, s6;
	s7 =	simm.s32 @p2 $0x1082  }
0x22: {  	[simem:s7], [sflag:s8] =	dma.local @!p0 [hbm:s6], $0xF7A  }
0x23: {  	s9 =	sor.u32 $0xD0000000, s2;
	s6 =	simm.s32 $0x108;
	_ =	swait.ge @!p0 [sflag:s8], $0x0  }
0x24: {  	s3 =	sadd.s32 $0x88, s3;
	s6 =	simm.s32 @!p1 $0x1082;
	[sflag:s4] =	ssyncset.s32 $0xFFFFF086  }
0x25: {  	[simem:s6], [sflag:s4] =	dma.local [hbm:s3], $0xF7A  }
0x26: {  	[smem:$0x3F9F] =	sst s1;
	(tag) =	ssettag s2;
	_ =	strace s9  }
0x27: {  	s1 =	sld [smem:$0x3FAF]  }
0x28: {  	s2 =	sld [smem:$0x3FB0]  }
0x29: {  	s4 =	sld [smem:$0x3FB2]  }
0x2a: {  	p0 =	seq.s32 s5, $0x0;
	s5 =	sld [smem:$0x3FB3]  }
0x2b: {  	s6 =	sld [smem:$0x3FB4]  }
0x2c: {  	s7 =	sld [smem:$0x3FB5]  }
0x2d: {  	s3 =	simm.s32 $0x108;
	s8 =	sld [smem:$0x3FB6]  }
0x2e: {  	s3 =	simm.s32 @!p0 $0x1082;
	s9 =	sld [smem:$0x3FB7]  }
0x2f: {  	lr =	sadd.s32 s0, s3;
	s0 =	sld [smem:$0x3FAE]  }
0x30: {  	s3 =	sld [smem:$0x3FB1]  }
0x31: {  	[smem:$0x3FBA] =	sst s10  }
0x32: {  	s10 =	sld [smem:$0x3FB8];
	_ =	sdelay $0x3  }
0x33: {  	p0 =	seq.s32 s10, $0x1;
	s10 =	sld [smem:$0x3FBA];
	_ =	sdelay $0x3  }
0x34: {  	[smem:$0x3FBA] =	sst s10  }
0x35: {  	s10 =	sld [smem:$0x3FB9];
	_ =	sdelay $0x3  }
0x36: {  	p1 =	seq.s32 s10, $0x1;
	s10 =	sld [smem:$0x3FBA];
	_ =	sdelay $0x3  }
0x37: {  	[smem:$0x3FBA] =	sst s10  }
0x38: {  	s10 =	sld [smem:$0x3FBB]  }
0x39: {  	_ = 	snop;
	(pc) =	sbr.ind lr, $3  }
0x3a: {  	_ = 	snop  }
0x3b: {  	_ = 	snop  }
0x3c: {  	p2 =	seq.s32 s10, $0x1;
	s10 =	sld [smem:$0x3FBA]  }
0x3d: {  	_ =	shalt  }
0x3e: {  	_ =	shalt  }
0x3f: {  	_ =	shalt  }
0x40: {  	_ =	shalt  }
0x41: {  	_ =	shalt  }
0x42: {  	_ =	shalt  }
0x43: {  	_ =	shalt  }
0x44: {  	_ =	shalt  }
0x45: {  	_ =	shalt  }
0x46: {  	_ =	shalt  }
0x47: {  	_ =	shalt  }
0x48: {  	_ =	shalt  }
0x49: {  	_ =	shalt  }
0x4a: {  	_ =	shalt  }
0x4b: {  	_ =	shalt  }
0x4c: {  	_ =	shalt  }
0x4d: {  	_ =	shalt  }
0x4e: {  	_ =	shalt  }
0x4f: {  	_ =	shalt  }
0x50: {  	_ =	shalt  }
0x51: {  	_ =	shalt  }
0x52: {  	_ =	shalt  }
0x53: {  	_ =	shalt  }
0x54: {  	_ =	shalt  }
0x55: {  	_ =	shalt  }
0x56: {  	_ =	shalt  }
0x57: {  	_ =	shalt  }
0x58: {  	_ =	shalt  }
0x59: {  	_ =	shalt  }
0x5a: {  	_ =	shalt  }
0x5b: {  	_ =	shalt  }
0x5c: {  	_ =	shalt  }
0x5d: {  	_ =	shalt  }
0x5e: {  	_ =	shalt  }
0x5f: {  	_ =	shalt  }
0x60: {  	_ =	shalt  }
0x61: {  	_ =	shalt  }
0x62: {  	_ =	shalt  }
0x63: {  	_ =	shalt  }
0x64: {  	_ =	shalt  }
0x65: {  	_ =	shalt  }
0x66: {  	_ =	shalt  }
0x67: {  	_ =	shalt  }
0x68: {  	_ =	shalt  }
0x69: {  	_ =	shalt  }
0x6a: {  	_ =	shalt  }
0x6b: {  	_ =	shalt  }
0x6c: {  	_ =	shalt  }
0x6d: {  	_ =	shalt  }
0x6e: {  	_ =	shalt  }
0x6f: {  	_ =	shalt  }
0x70: {  	_ =	shalt  }
0x71: {  	_ =	shalt  }
0x72: {  	_ =	shalt  }
0x73: {  	_ =	shalt  }
0x74: {  	_ =	shalt  }
0x75: {  	_ =	shalt  }
0x76: {  	_ =	shalt  }
0x77: {  	_ =	shalt  }
0x78: {  	_ =	shalt  }
0x79: {  	_ =	shalt  }
0x7a: {  	_ =	shalt  }
0x7b: {  	_ =	shalt  }
0x7c: {  	_ =	shalt  }
0x7d: {  	_ =	shalt  }
0x7e: {  	_ =	shalt  }
0x7f: {  	_ =	shalt  }
0x80: {  	_ =	shalt  }
0x81: {  	_ =	shalt  }
0x82: {  	_ =	shalt  }
0x83: {  	_ =	shalt  }
0x84: {  	_ =	shalt  }
0x85: {  	_ =	shalt  }
0x86: {  	_ =	shalt  }
0x87: {  	_ =	shalt  }
.Lfunc_end0:
.L_simem_size_0:
called_computation_lowered:
.L_overlay_start_0:
0x88: {  	s2 =	sld [smem:$0x3FD9]  }
0x89: {  	s3 =	sld [smem:$0x3FFE];
	_ =	sdelay $0x1  }
0x8a: {  	s1 =	srdreg.scid  }
0x8b: {  	s0 =	sand.u32 $0x1, s1  }
0x8c: {  	s17 =	sshll.u32 s0, $0xA;
	s2 =	sadd.s32 s3, s2  }
0x8d: {  	s2 =	sadd.s32 s2, s17  }
0x8e: {  	[smem:$0x3FC6] =	sst s2  }
0x8f: {  	_ = 	snop  }
0x90: {  	s2 =	sld [smem:$0x3FC8]  }
0x91: {  	s18 =	sld [smem:$0x3FD0];
	(tm) =	ssettm $0x1  }
0x92: {  	s4 =	sld [smem:$0x3FFB];
	_ =	sdelay $0x3  }
0x93: {  	_ =	strace s4  }
0x94: {  	s4 =	sld [smem:$0x3FFC];
	_ =	sdelay $0x3  }
0x95: {  	_ =	strace s4  }
0x96: {  	s4 =	sld [smem:$0x3FFD];
	_ =	sdelay $0x3  }
0x97: {  	_ =	strace s4  }
0x98: {  	_ =	strace $0x8FFFFFFF  }
0x99: {  	s19 =	sld [smem:$0x3FDB];
	_ =	sdelay $0x1  }
0x9a: {  	s5 =	simm.s32 $_scs_section_size  }
0x9b: {  	s6 =	simm.s32 $_size__tile_overlayer_lowered;
	s7 =	simm.s32 $_tile_overlayer_lowered  }
0x9c: {  	s22 =	simm.s32 $0x1BFF;
	s21 =	sshll.u32 s7, $0x1;
	s4 =	sadd.s32 s5, s19  }
0x9d: {  	s8 =	simm.s32 $0x0;
	s20 =	sshll.u32 s6, $0x1;
	s6 =	sadd.s32 s21, s4  }
0x9e: {  	[timem:s8], [sflag:s22] =	dma.local [hbm:s6], s20  }
0x9f: {  	_ =	swait.ge [sflag:s22], s20  }
0xa0: {  	s5 =	ssub.s32 $0x0, s20;
	[sflag:s22] =	ssyncset.done $0x0  }
0xa1: {  	[sflag:s22] =	ssyncadd.s32 s5;
	_ =	sdelay $0x1  }
0xa2: {  	s23 =	simm.s32 $0x1B8B  }
0xa3: {  	_ =	swait.ge [sflag:s23], $0x1  }
0xa4: {  	[sflag:s23] =	ssyncset.done $0x0  }
0xa5: {  	s25 =	simm.s32 $0x1B8E;
	s24 =	sld [smem:$0x3FFE];
	[sflag:s23] =	ssyncadd.s32 $0xFFFFFFFF  }
0xa6: {  	s26 =	simm.s32 $execute0_lowered;
	[smem:$0x3FD2] =	sst s25  }
0xa7: {  	s6 =	sshll.u32 s26, $0x1;
	_ =	strace $0x80000046;
	[dreg:$0x1] =	wrdreg $0xFFFFFFFF  }
0xa8: {  	s28 =	simm.s32 $_size_execute0_lowered;
	s4 =	sadd.s32 s4, s6;
	[dreg:$0x0] =	wrdreg $0x0  }
0xa9: {  	s6 =	sshll.u32 s28, $0x1;
	[dreg:$0x2] =	wrdreg s4  }
0xaa: {  	[dreg:$0x3] =	wrdreg s6  }
0xab: {  	[dreg:$0x4] =	wrdreg $0xC0  }
0xac: {  	_ =	task [dreg:s8], $0x5FFFF  }
0xad: {  	[dreg:$0x1] =	wrdreg $0xFFFFFFFF  }
0xae: {  	[dreg:$0x0] =	wrdreg $0x60  }
0xaf: {  	[dreg:$0x2] =	wrdreg s24  }
0xb0: {  	[dreg:$0x3] =	wrdreg s2  }
0xb1: {  	[dreg:$0x4] =	wrdreg s18  }
0xb2: {  	[dreg:$0x5] =	wrdreg $0x9  }
0xb3: {  	_ =	task.clear_ibuf [dreg:s8], $0x6FFFF;
	_ =	strace $0x90000046  }
0xb4: {  	s29 =	simm.s32 $0x9;
	_ =	strace $0x80000048  }
0xb5: {  	_ =	swait.ge [sflag:s29], $0x1  }
0xb6: {  	[sflag:s29] =	ssyncadd.s32 $0xFFFFFFFF  }
0xb7: {  	_ =	strace $0x90000048  }
0xb8: {  	_ =	sfence  }
0xb9: {  	s30 =	sld [smem:$0x0];
	_ =	sdelay $0x2  }
0xba: {  	s31 =	sshll.u32 s1, $0xD;
	s1 =	sshrl.u32 s1, $0x2  }
0xbb: {  	s3 =	sand.u32 $0x4000, s31;
	s1 =	sadd.s32 s1, s30  }
0xbc: {  	s0 =	sor.u32 s3, s0;
	s1 =	sshll.u32 s1, $0x11  }
0xbd: {  	s0 =	sor.u32 s1, s0  }
0xbe: {  	s0 =	sadd.s32 $0x8F2B, s0  }
0xbf: {  	[sflag:s0] =	ssyncadd.remote.s32 $0x1  }
0xc0: {  	_ =	sfence.sel $0xFFFF  }
0xc1: {  	[dreg:$0x0] =	wrdreg $0xFFFFFFFF;
	(pc) =	sbr.abs _section_cstart, $3  }
0xc2: {  	[dreg:$0x1] =	wrdreg $0xFFFFFFFF  }
0xc3: {  	_ =	task.clear_ibuf [dreg:s8], $0x2FFFF;
	_ =	strace $0x9FFFFFFF  }
0xc4: {  	(tm) =	ssettm $0x7FFFFFFF  }
0xc5: {  	_ =	shalt  }
tec
execute0_lowered:
.L_overlay_start_1:
0x0: {  	(tag) =	ssettag $0x1  }
0x1: {  	s0 =	rddreg [dreg:$0x0]  }
0x2: {  	s1 =	srdreg.scid;
	s2 =	rddreg [dreg:$0x1]  }
0x3: {  	s12 =	stileid.u32;
	s11 =	rddreg [dreg:$0x2]  }
0x4: {  	s13 =	simm.s32 $0x80;
	s14 =	simm.s32 $0x6400;
	s15 =	simm.s32 $0xA400  }
0x5: {  	s17 =	simm.s32 $0xE400;
	s19 =	simm.s32 $0x12400;
	s20 =	simm.s32 $0x1  }
0x6: {  	s22 =	simm.s32 $0x16400;
	s28 =	simm.s32 $0x4;
	s23 =	smul.u32 $0x640000, s12  }
0x7: {  	s1 =	sand.u32 $0x1, s1;
	s3 =	sshll.u32 s12, $0x1;
	s26 =	smul.u32 $0xC8000, s12  }
0x8: {  	s29 =	simm.s32 $0x5;
	s4 =	sor.u32 s1, s3;
	s24 =	smul.u32 $0x320000, s1  }
0x9: {  	s30 =	simm.s32 $0x6;
	s12 =	simm.s32 $0x7;
	s5 =	smul.u32 $0xC80, s4  }
0xa: {  	s3 =	simm.s32 $0x0;
	s6 =	ssub.s32 $0x2, s1;
	s7 =	smul.u32 $0x64000, s4  }
0xb: {  	[smem:$0x7FF] =	sst s3;
	s8 =	sshrl.u32 s6, $0x1;
	s9 =	smul.u32 $0x320000, s4  }
0xc: {  	s1 =	smul.u32 $0x64000, s1;
	_ =	strace $0x80000047;
	s10 =	ssub.s32 s6, s8  }
0xd: {  	s0 =	sadd.s32 s5, s0;
	s5 =	sadd.s32 s11, s7;
	s25 =	sshrl.u32 s9, $0x3  }
0xe: {  	s9 =	sadd.s32 s26, s11;
	s26 =	simm.s32 $0x3;
	s4 =	sadd.s32 $0x400, s0  }
0xf: {  	s6 =	sadd.s32 $0x1000, s5;
	s31 =	sadd.s32 s11, s25;
	s0 =	sadd.s32 s24, s23  }
0x10: {  	s1 =	sadd.s32 s1, s9;
	s9 =	smax.u32 s10, $0x1;
	s24 =	simm.s32 $0x1A400  }
0x11: {  	s25 =	simm.s32 $0x2;
	s7 =	sadd.s32 $0x62000, s31;
	s0 =	sadd.s32 $0x20000, s0  }
0x12: {  	s8 =	sadd.s32 $0x63000, s31;
	s10 =	sadd.s32 $0x2000, s1;
	s0 =	sshrl.u32 s0, $0x3  }
0x13: {  	s1 =	simm.s32 $0x6380;
	s11 =	sadd.s32 s0, s11;
	s0 =	simm.s32 $0x0  }
.LBB2_1:
0x14: {  	[tilespmem:s3], [sflag:$0x7] =	stream.linear.gather [hbm4b:s4+s3], $0x6400, $0x38;
	[tilespmem:$0x1E400] =	vst v63  }
0x15: {  	_ =	swait.ge [sflag:s12], $0x6400  }
0x16: {  	[sflag:s12] =	ssyncset.done $0x0  }
0x17: {  	[sflag:s12] =	ssyncadd.s32 $0xFFFF9C00  }
0x18: {  	[tilespmem:s14], [sflag:$0x1] =	stream.indirect.gather [hbm4b:s2+s13], $0x80, s3, s13, $0xb8;
	[tilespmem:$0x1E400] =	vst v63  }
0x19: {  	_ = 	snop  }
0x1a: {  	[tilespmem:s15], [sflag:$0x1] =	stream.indirect.gather [hbm4b:s2+s13], $0x80, s13, s13, $0xb8;
	[tilespmem:$0x1E400] =	vst v63  }
0x1b: {  	s16 =	simm.s32 $0x100  }
0x1c: {  	[tilespmem:s17], [sflag:$0x2] =	stream.indirect.gather [hbm4b:s2+s13], $0x80, s16, s13, $0xb8;
	[tilespmem:$0x1E400] =	vst v63  }
0x1d: {  	s31 =	simm.s32 $0x180  }
0x1e: {  	[tilespmem:s19], [sflag:$0x2] =	stream.indirect.gather [hbm4b:s2+s13], $0x80, s31, s13, $0xb8;
	[tilespmem:$0x1E400] =	vst v63  }
0x1f: {  	_ =	swait.ge [sflag:s20], $0x4000  }
0x20: {  	[sflag:s20] =	ssyncset.done $0x0  }
0x21: {  	[sflag:s20] =	ssyncadd.s32 $0xFFFFC000  }
0x22: {  	_ =	swait.ge [sflag:s20], $0x4000  }
0x23: {  	[sflag:s20] =	ssyncset.done $0x0  }
0x24: {  	[sflag:s20] =	ssyncadd.s32 $0xFFFFC000  }
0x25: {  	[hbm4b:s5+s3] =	stream.linear.scatter [tilespmem:s14], [sflag:$0x4], $0x8000, $0x38;
	[tilespmem:$0x1E400] =	vst v63  }
0x26: {  	s18 =	simm.s32 $0x200  }
0x27: {  	[tilespmem:s22], [sflag:$0x3] =	stream.indirect.gather [hbm4b:s2+s13], $0x80, s18, s13, $0xb8;
	[tilespmem:$0x1E400] =	vst v63  }
0x28: {  	s21 =	simm.s32 $0x280  }
0x29: {  	[tilespmem:s24], [sflag:$0x3] =	stream.indirect.gather [hbm4b:s2+s13], $0x80, s21, s13, $0xb8;
	[tilespmem:$0x1E400] =	vst v63  }
0x2a: {  	_ =	swait.ge [sflag:s25], $0x4000  }
0x2b: {  	[sflag:s25] =	ssyncset.done $0x0  }
0x2c: {  	[sflag:s25] =	ssyncadd.s32 $0xFFFFC000  }
0x2d: {  	_ =	swait.ge [sflag:s25], $0x4000  }
0x2e: {  	[sflag:s25] =	ssyncset.done $0x0  }
0x2f: {  	[sflag:s25] =	ssyncadd.s32 $0xFFFFC000  }
0x30: {  	[hbm4b:s6+s3] =	stream.linear.scatter [tilespmem:s17], [sflag:$0x5], $0x8000, $0x38;
	[tilespmem:$0x1E400] =	vst v63  }
0x31: {  	_ =	swait.ge [sflag:s26], $0x4000  }
0x32: {  	[sflag:s26] =	ssyncset.done $0x0  }
0x33: {  	[sflag:s26] =	ssyncadd.s32 $0xFFFFC000  }
0x34: {  	_ =	swait.ge [sflag:s26], $0x4000  }
0x35: {  	[sflag:s26] =	ssyncset.done $0x0  }
0x36: {  	[sflag:s26] =	ssyncadd.s32 $0xFFFFC000  }
0x37: {  	[hbm4b:s10+s3] =	stream.linear.scatter [tilespmem:s22], [sflag:$0x6], $0x8000, $0x38;
	[tilespmem:$0x1E400] =	vst v63  }
0x38: {  	_ =	swait.ge [sflag:s28], $0x8000  }
0x39: {  	[sflag:s28] =	ssyncset.done $0x0  }
0x3a: {  	s23 =	simm.s32 $0x300;
	[sflag:s28] =	ssyncadd.s32 $0xFFFF8000  }
0x3b: {  	[tilespmem:s14], [sflag:$0x1] =	stream.indirect.gather [hbm4b:s2+s13], $0x80, s23, s13, $0xb8;
	[tilespmem:$0x1E400] =	vst v63  }
0x3c: {  	s31 =	simm.s32 $0x380  }
0x3d: {  	[tilespmem:s15], [sflag:$0x1] =	stream.indirect.gather [hbm4b:s2+s13], $0x80, s31, s13, $0xb8;
	[tilespmem:$0x1E400] =	vst v63  }
0x3e: {  	_ =	swait.ge [sflag:s20], $0x4000  }
0x3f: {  	[sflag:s20] =	ssyncset.done $0x0  }
0x40: {  	[sflag:s20] =	ssyncadd.s32 $0xFFFFC000  }
0x41: {  	_ =	swait.ge [sflag:s20], $0x4000  }
0x42: {  	[sflag:s20] =	ssyncset.done $0x0  }
0x43: {  	s18 =	sadd.s32 $0x1000, s10;
	[sflag:s20] =	ssyncadd.s32 $0xFFFFC000  }
0x44: {  	[hbm4b:s18+s3] =	stream.linear.scatter [tilespmem:s14], [sflag:$0x4], $0x8000, $0x38;
	[tilespmem:$0x1E400] =	vst v63  }
0x45: {  	_ =	swait.ge [sflag:s29], $0x8000  }
0x46: {  	[sflag:s29] =	ssyncset.done $0x0  }
0x47: {  	s21 =	simm.s32 $0x400;
	[sflag:s29] =	ssyncadd.s32 $0xFFFF8000  }
0x48: {  	[tilespmem:s17], [sflag:$0x2] =	stream.indirect.gather [hbm4b:s2+s13], $0x80, s21, s13, $0xb8;
	[tilespmem:$0x1E400] =	vst v63  }
0x49: {  	s23 =	simm.s32 $0x480  }
0x4a: {  	[tilespmem:s19], [sflag:$0x2] =	stream.indirect.gather [hbm4b:s2+s13], $0x80, s23, s13, $0xb8;
	[tilespmem:$0x1E400] =	vst v63  }
0x4b: {  	_ =	swait.ge [sflag:s25], $0x4000  }
0x4c: {  	[sflag:s25] =	ssyncset.done $0x0  }
0x4d: {  	[sflag:s25] =	ssyncadd.s32 $0xFFFFC000  }
0x4e: {  	_ =	swait.ge [sflag:s25], $0x4000  }
0x4f: {  	[sflag:s25] =	ssyncset.done $0x0  }
0x50: {  	[sflag:s25] =	ssyncadd.s32 $0xFFFFC000  }
0x51: {  	[hbm4b:s11+s3] =	stream.linear.scatter [tilespmem:s17], [sflag:$0x5], $0x8000, $0x38;
	[tilespmem:$0x1E400] =	vst v63  }
0x52: {  	s16 =	simm.s32 $0xC00;
	_ =	swait.ge [sflag:s30], $0x8000  }
0x53: {  	s31 =	simm.s32 $0x500;
	s18 =	sadd.s32 $0x3000, s10;
	[sflag:s30] =	ssyncset.done $0x0  }
0x54: {  	s21 =	sadd.s32 $0x3000, s11;
	s23 =	simm.s32 $0x580;
	[sflag:s30] =	ssyncadd.s32 $0xFFFF8000  }
0x55: {  	[tilespmem:s22], [sflag:$0x3] =	stream.indirect.gather [hbm4b:s2+s13], $0x80, s31, s13, $0xb8;
	[tilespmem:$0x1E400] =	vst v63  }
.LBB2_2:
0x56: {  	[tilespmem:s24], [sflag:$0x3] =	stream.indirect.gather [hbm4b:s2+s13], $0x80, s23, s13, $0xb8;
	[tilespmem:$0x1E400] =	vst v63  }
0x57: {  	s23 =	smov.u32 s16  }
0x58: {  	p0 =	sne.s32 s16, $0x17400;
	s16 =	sadd.s32 $0xC00, s16;
	_ =	swait.ge [sflag:s26], $0x4000  }
0x59: {  	[sflag:s26] =	ssyncset.done $0x0  }
0x5a: {  	[sflag:s26] =	ssyncadd.s32 $0xFFFFC000  }
0x5b: {  	_ =	swait.ge [sflag:s26], $0x4000  }
0x5c: {  	[sflag:s26] =	ssyncset.done $0x0  }
0x5d: {  	[sflag:s26] =	ssyncadd.s32 $0xFFFFC000  }
0x5e: {  	[hbm4b:s18+s3] =	stream.linear.scatter [tilespmem:s22], [sflag:$0x6], $0x8000, $0x38;
	[tilespmem:$0x1E400] =	vst v63  }
0x5f: {  	_ =	swait.ge [sflag:s28], $0x8000  }
0x60: {  	s23 =	sshra.s32 s23, $0x2;
	[sflag:s28] =	ssyncset.done $0x0  }
0x61: {  	s31 =	sadd.s32 $0x300, s23;
	[sflag:s28] =	ssyncadd.s32 $0xFFFF8000  }
0x62: {  	[tilespmem:s14], [sflag:$0x1] =	stream.indirect.gather [hbm4b:s2+s13], $0x80, s31, s13, $0xb8;
	[tilespmem:$0x1E400] =	vst v63  }
0x63: {  	s31 =	sadd.s32 $0x380, s23  }
0x64: {  	[tilespmem:s15], [sflag:$0x1] =	stream.indirect.gather [hbm4b:s2+s13], $0x80, s31, s13, $0xb8;
	[tilespmem:$0x1E400] =	vst v63  }
0x65: {  	_ =	swait.ge [sflag:s20], $0x4000  }
0x66: {  	[sflag:s20] =	ssyncset.done $0x0  }
0x67: {  	[sflag:s20] =	ssyncadd.s32 $0xFFFFC000  }
0x68: {  	_ =	swait.ge [sflag:s20], $0x4000  }
0x69: {  	[sflag:s20] =	ssyncset.done $0x0  }
0x6a: {  	s31 =	sadd.s32 $0x1000, s18;
	[sflag:s20] =	ssyncadd.s32 $0xFFFFC000  }
0x6b: {  	[hbm4b:s31+s3] =	stream.linear.scatter [tilespmem:s14], [sflag:$0x4], $0x8000, $0x38;
	[tilespmem:$0x1E400] =	vst v63  }
0x6c: {  	_ =	swait.ge [sflag:s29], $0x8000  }
0x6d: {  	[sflag:s29] =	ssyncset.done $0x0  }
0x6e: {  	s31 =	sadd.s32 $0x400, s23;
	[sflag:s29] =	ssyncadd.s32 $0xFFFF8000  }
0x6f: {  	[tilespmem:s17], [sflag:$0x2] =	stream.indirect.gather [hbm4b:s2+s13], $0x80, s31, s13, $0xb8;
	[tilespmem:$0x1E400] =	vst v63  }
0x70: {  	s31 =	sadd.s32 $0x480, s23  }
0x71: {  	[tilespmem:s19], [sflag:$0x2] =	stream.indirect.gather [hbm4b:s2+s13], $0x80, s31, s13, $0xb8;
	[tilespmem:$0x1E400] =	vst v63  }
0x72: {  	_ =	swait.ge [sflag:s25], $0x4000  }
0x73: {  	[sflag:s25] =	ssyncset.done $0x0  }
0x74: {  	[sflag:s25] =	ssyncadd.s32 $0xFFFFC000  }
0x75: {  	_ =	swait.ge [sflag:s25], $0x4000  }
0x76: {  	[sflag:s25] =	ssyncset.done $0x0  }
0x77: {  	[sflag:s25] =	ssyncadd.s32 $0xFFFFC000  }
0x78: {  	[hbm4b:s21+s3] =	stream.linear.scatter [tilespmem:s17], [sflag:$0x5], $0x8000, $0x38;
	[tilespmem:$0x1E400] =	vst v63  }
.Ltmp0:
0x79: {  	_ =	swait.ge [sflag:s30], $0x8000;
	(pc) =	sbr.rel @p0 .LBB2_2-.Ltmp0, $4  }
0x7a: {  	[sflag:s30] =	ssyncset.done $0x0  }
0x7b: {  	s31 =	sadd.s32 $0x500, s23;
	[sflag:s30] =	ssyncadd.s32 $0xFFFF8000  }
0x7c: {  	[tilespmem:s22], [sflag:$0x3] =	stream.indirect.gather [hbm4b:s2+s13], $0x80, s31, s13, $0xb8;
	[tilespmem:$0x1E400] =	vst v63  }
0x7d: {  	s18 =	sadd.s32 $0x3000, s18;
	s23 =	sadd.s32 $0x580, s23;
	s21 =	sadd.s32 $0x3000, s21  }
0x7e: {  	[tilespmem:s24], [sflag:$0x3] =	stream.indirect.gather [hbm4b:s2+s13], $0x80, s23, s13, $0xb8;
	[tilespmem:$0x1E400] =	vst v63  }
0x7f: {  	_ =	swait.ge [sflag:s26], $0x4000  }
0x80: {  	[sflag:s26] =	ssyncset.done $0x0  }
0x81: {  	[sflag:s26] =	ssyncadd.s32 $0xFFFFC000  }
0x82: {  	_ =	swait.ge [sflag:s26], $0x4000  }
0x83: {  	[sflag:s26] =	ssyncset.done $0x0  }
0x84: {  	[sflag:s26] =	ssyncadd.s32 $0xFFFFC000  }
0x85: {  	[hbm4b:s7+s3] =	stream.linear.scatter [tilespmem:s22], [sflag:$0x6], $0x8000, $0x38;
	[tilespmem:$0x1E400] =	vst v63  }
0x86: {  	_ =	swait.ge [sflag:s28], $0x8000  }
0x87: {  	[sflag:s28] =	ssyncset.done $0x0  }
0x88: {  	s16 =	simm.s32 $0x6300;
	[sflag:s28] =	ssyncadd.s32 $0xFFFF8000  }
0x89: {  	[tilespmem:s14], [sflag:$0x1] =	stream.indirect.gather [hbm4b:s2+s13], $0x80, s16, s13, $0xb8;
	[tilespmem:$0x1E400] =	vst v63  }
0x8a: {  	_ = 	snop  }
0x8b: {  	[tilespmem:s15], [sflag:$0x1] =	stream.indirect.gather [hbm4b:s2+s13], $0x80, s1, s13, $0xb8;
	[tilespmem:$0x1E400] =	vst v63  }
0x8c: {  	_ =	swait.ge [sflag:s20], $0x4000  }
0x8d: {  	[sflag:s20] =	ssyncset.done $0x0  }
0x8e: {  	[sflag:s20] =	ssyncadd.s32 $0xFFFFC000  }
0x8f: {  	_ =	swait.ge [sflag:s20], $0x4000  }
0x90: {  	[sflag:s20] =	ssyncset.done $0x0  }
0x91: {  	[sflag:s20] =	ssyncadd.s32 $0xFFFFC000  }
0x92: {  	[hbm4b:s8+s3] =	stream.linear.scatter [tilespmem:s14], [sflag:$0x4], $0x8000, $0x38;
	[tilespmem:$0x1E400] =	vst v63  }
0x93: {  	_ =	swait.ge [sflag:s29], $0x8000  }
0x94: {  	[sflag:s29] =	ssyncset.done $0x0  }
0x95: {  	s0 =	sadd.s32 $0x1, s0;
	[sflag:s29] =	ssyncadd.s32 $0xFFFF8000  }
0x96: {  	p0 =	sne.s32 s0, s9;
	_ =	swait.ge [sflag:s30], $0x8000  }
.Ltmp1:
0x97: {  	[sflag:s30] =	ssyncset.done $0x0;
	(pc) =	sbr.rel @p0 .LBB2_1-.Ltmp1, $4  }
0x98: {  	[sflag:s30] =	ssyncadd.s32 $0xFFFF8000  }
0x99: {  	_ =	swait.ge [sflag:s28], $0x8000  }
0x9a: {  	[sflag:s28] =	ssyncset.done $0x0  }
0x9b: {  	[sflag:s28] =	ssyncadd.s32 $0xFFFF8000  }
0x9c: {  	_ =	sfence.sel $0x180000  }
0x9d: {  	[bflag:$0x0] =	sbarrier.arrive $0xFFFF  }
0x9e: {  	_ =	strace $0x90000047  }
0x9f: {  	s0 =	stileid.u32;
	[bflag:$0x2] =	sbarrier.arrive $0xFFFF  }
0xa0: {  	p0 =	sne.s32 s0, $0x0;
	s0 =	rddreg [dreg:$0x3]  }
0xa1: {  	s0 =	sadd.s32 @!p0 $0x100000, s0  }
0xa2: {  	[sflag:s0] =	ssyncadd.tile.s32 @!p0 $0x1;
	_ =	shalt  }
.Lfunc_end2:
_tile_overlayer_lowered:
.L_overlay_start_2:
0xa3: {  	(tag) =	ssettag $0x2  }
0xa4: {  	s0 =	rddreg [dreg:$0x0];
	s2 =	stileid.u32  }
0xa5: {  	s1 =	rddreg [dreg:$0x1];
	p0 =	sne.s32 s2, $0x0  }
0xa6: {  	s3 =	rddreg [dreg:$0x2];
	[bflag:$0x3] =	sbarrier.arrive $0xFFFF;
	s2 =	simm.s32 @!p0 $0x1C07  }
0xa7: {  	[timem:s3], [sflag:s2] =	dma.local @!p0 [hbm:s0], s1  }
0xa8: {  	s0 =	simm.s32 @!p0 $0x7  }
0xa9: {  	_ =	swait.ge @!p0 [sflag:s0], s1  }
0xaa: {  	s1 =	ssub.s32 @!p0 $0x0, s1;
	[sflag:s0] =	ssyncset.done @!p0 $0x0  }
0xab: {  	[sflag:s0] =	ssyncadd.s32 @!p0 s1  }
0xac: {  	[bflag:$0x3] =	sbarrier.arrive $0xFFFF  }
0xad: {  	_ =	shalt  }

</sc_bundles>
